<compile_context>
chip_gen: v7x
topology: tpu7x:2x2x1
jax: 0.10.2.dev20260603
libtpu: 0.0.44.dev20260713+nightly
codegen_flags: <defaults>
</compile_context>

<pallas_src>
import jax
import jax.numpy as jnp
from jax import lax
from jax.experimental import pallas as pl
from jax.experimental.pallas import tpu as pltpu
from jax.experimental.pallas import tpu_sc as plsc

N = 10000
NP = 10240
D = 256
DH = 128
H = 512
O = 256
E = 160000
CH = 128
NB = 2
EP = 163840
NCHUNK = EP // CH
ROWS_PS = NCHUNK // 16
CROWS_PS = NCHUNK // 32
RPS = NP // 16
BN = 400


def _sc_body(x0, x1, srcl, dstl, out0, out1, cnt0, cnt1,
             src0, src1, src2, src3, dst0, dst1, dst2, dst3,
             rows0, rows1, rows2, rows3, acc_s,
             gs0, gs1, gs2, gs3, ss0, ss1, ss2, ss3, is0, is1, is2, is3):
    c = lax.axis_index("c")
    s = lax.axis_index("s")

    srcb = (src0, src1, src2, src3)
    dstb = (dst0, dst1, dst2, dst3)
    rows = (rows0, rows1, rows2, rows3)
    gsem = (gs0, gs1, gs2, gs3)
    ssem = (ss0, ss1, ss2, ss3)
    isem = (is0, is1, is2, is3)

    zeros16 = jnp.zeros((16,), jnp.float32)
    ones16 = jnp.ones((16,), jnp.float32)

    def fill_const(ref, v16):
        def frow(i, _):
            def fcol(j, _):
                ref[i, pl.ds(j * 16, 16)] = v16
                return 0
            lax.fori_loop(0, DH // 16, fcol, 0)
            return 0
        lax.fori_loop(0, CH, frow, 0)

    def zero_acc(zsrc_v):
        def z(k, _):
            pltpu.sync_copy(zsrc_v, acc_s.at[pl.ds(s * RPS + k * CH, CH)])
            return 0
        lax.fori_loop(0, RPS // CH, z, 0)

    def copy_acc(out_hbm, stage_v):
        def cp(k, _):
            r0 = s * RPS + k * CH
            pltpu.sync_copy(acc_s.at[pl.ds(r0, CH)], stage_v)
            pltpu.sync_copy(stage_v, out_hbm.at[pl.ds(r0, CH)])
            return 0
        lax.fori_loop(0, RPS // CH, cp, 0)

    fill_const(rows0, zeros16)
    zero_acc(rows0)
    plsc.subcore_barrier()

    def idx_load(off, q):
        a = pltpu.async_copy(srcl.at[pl.ds(off, CH)], srcb[q], isem[q])
        b = pltpu.async_copy(dstl.at[pl.ds(off, CH)], dstb[q], isem[q])
        return a, b

    def feat_loop(x_hbm):
        base = s * ROWS_PS * CH
        last = base + (ROWS_PS - NB) * CH

        ii = [idx_load(base + q * CH, q) for q in range(NB)]
        gg = []
        for q in range(NB):
            ii[q][0].wait(); ii[q][1].wait()
            gg.append(pltpu.async_copy(x_hbm.at[srcb[q]], rows[q], gsem[q]))

        def it(bb, _):
            offn = jnp.minimum(base + (NB * bb + NB) * CH, last)
            sc = []
            for q in range(NB):
                gg[q].wait()
                sc.append(pltpu.async_copy(rows[q], acc_s.at[dstb[q]],
                                           ssem[q], add=True))
            jj = []
            for q in range(NB):
                sc[q].wait()
                jj.append(idx_load(offn + q * CH, q))
            for q in range(NB):
                jj[q][0].wait(); jj[q][1].wait()
                pltpu.async_copy(x_hbm.at[srcb[q]], rows[q], gsem[q])
            return 0
        lax.fori_loop(0, ROWS_PS // NB, it, 0)
        for q in range(NB):
            gg[q].wait()

    pl.when(c == 0)(lambda: feat_loop(x0))
    pl.when(c == 1)(lambda: feat_loop(x1))

    plsc.subcore_barrier()
    pl.when(c == 0)(lambda: copy_acc(out0, rows0))
    pl.when(c == 1)(lambda: copy_acc(out1, rows0))
    plsc.subcore_barrier()

    fill_const(rows1, zeros16)
    zero_acc(rows1)
    fill_const(rows0, ones16)
    plsc.subcore_barrier()

    def cnt_loop(_=None):
        base = (c * 16 + s) * CROWS_PS * CH
        last = base + (CROWS_PS - 4) * CH
        for q in range(4):
            pltpu.sync_copy(dstl.at[pl.ds(base + q * CH, CH)], dstb[q])

        def it(bb, _):
            offn = jnp.minimum(base + (4 * bb + 4) * CH, last)
            sc = [pltpu.async_copy(rows0, acc_s.at[dstb[q]], ssem[q % NB],
                                   add=True) for q in range(4)]
            for q in range(4):
                sc[q].wait()
                pltpu.sync_copy(dstl.at[pl.ds(offn + q * CH, CH)], dstb[q])
            return 0
        lax.fori_loop(0, CROWS_PS // 4, it, 0)

    cnt_loop()
    plsc.subcore_barrier()
    pl.when(c == 0)(lambda: copy_acc(cnt0, rows1))
    pl.when(c == 1)(lambda: copy_acc(cnt1, rows1))


def _sc_aggregate(x0, x1, srcl, dstl):
    fn = pl.kernel(
        _sc_body,
        out_type=[
            jax.ShapeDtypeStruct((NP, DH), jnp.float32),
            jax.ShapeDtypeStruct((NP, DH), jnp.float32),
            jax.ShapeDtypeStruct((NP, DH), jnp.float32),
            jax.ShapeDtypeStruct((NP, DH), jnp.float32),
        ],
        mesh=plsc.VectorSubcoreMesh(core_axis_name="c", subcore_axis_name="s"),
        scratch_types=(
            [pltpu.VMEM((CH,), jnp.int32) for _ in range(8)]
            + [pltpu.VMEM((CH, DH), jnp.float32) for _ in range(NB)]
            + [pltpu.VMEM((8, DH), jnp.float32) for _ in range(4 - NB)]
            + [pltpu.VMEM_SHARED((NP, DH), jnp.float32)]
            + [pltpu.SemaphoreType.DMA for _ in range(12)]
        ),
    )
    return fn(x0, x1, srcl, dstl)


def _tc_body(s0, s1, c0, c1, x, wl, bl, wr, w1, b1, w2, b2, out):
    f32 = jnp.float32
    inv = 1.0 / jnp.maximum(c0[:, 0:1] + c1[:, 0:1], 1.0)
    mean0 = s0[...] * inv
    mean1 = s1[...] * inv
    h = (jnp.dot(mean0, wl[0:DH, :], preferred_element_type=f32)
         + jnp.dot(mean1, wl[DH:D, :], preferred_element_type=f32)
         + jnp.dot(x[...], wr[...], preferred_element_type=f32)
         + bl[...])
    t = jnp.maximum(jnp.dot(h, w1[...], preferred_element_type=f32) + b1[...], 0.0)
    out[...] = jnp.dot(t, w2[...], preferred_element_type=f32) + b2[...]


def _tc_dense(s0, s1, c0, c1, x, W_l, b_l, W_r, W1, b1, W2, b2):
    grid = (N // BN,)
    full = lambda shape: pl.BlockSpec(shape, lambda i: (0, 0))
    blk = lambda w: pl.BlockSpec((BN, w), lambda i: (i, 0))
    return pl.pallas_call(
        _tc_body,
        grid=grid,
        in_specs=[
            blk(DH), blk(DH), blk(DH), blk(DH), blk(D),
            full((D, H)), full((1, H)), full((D, H)),
            full((H, H)), full((1, H)), full((H, O)), full((1, O)),
        ],
        out_specs=blk(O),
        out_shape=jax.ShapeDtypeStruct((N, O), jnp.float32),
        compiler_params=pltpu.CompilerParams(
            dimension_semantics=("parallel",)),
    )(s0, s1, c0, c1, x, W_l, b_l, W_r, W1, b1, W2, b2)


def kernel(x, edge_index, W_l, b_l, W_r, W1, b1, W2, b2):
    src = edge_index[0].astype(jnp.int32)
    dst = edge_index[1].astype(jnp.int32)
    srcl = jnp.concatenate([src, jnp.zeros((EP - E,), jnp.int32)])
    dstl = jnp.concatenate([dst, jnp.full((EP - E,), NP - 1, jnp.int32)])
    x0 = x[:, :DH]
    x1 = x[:, DH:]
    s0, s1, c0, c1 = _sc_aggregate(x0, x1, srcl, dstl)
    return _tc_dense(s0, s1, c0, c1, x,
                     W_l, b_l.reshape(1, H), W_r,
                     W1, b1.reshape(1, H), W2, b2.reshape(1, O))

# --- scband reference (transcript-rebuilt; emitter-appended) ---
"""Pipeline reference for scband-sage-mlp-3229815407225 (READ-ONLY COPY).

The authoritative reference and input builder live on the scoring server;
editing this copy changes nothing except your own understanding.
"""

import jax, jax.numpy as jnp
import numpy as np

N = 10000
E = 160000
D = 256
H = 512
O = 256


def setup_inputs(seed: int = 0) -> dict:
    key = jax.random.key(seed)
    ks = jax.random.split(key, 10)
    x = jax.random.normal(ks[0], (N, D), dtype=jnp.float32)
    edge_index = jax.random.randint(ks[1], (2, E), 0, N, dtype=jnp.int32).astype(jnp.int64)
    # SAGEConv params (PyG-style): lin_l applied to aggregated neighbors (with bias), lin_r to self (no bias)
    W_l = jax.random.normal(ks[2], (D, H), dtype=jnp.float32) * (1.0 / np.sqrt(D))
    b_l = jnp.zeros((H,), dtype=jnp.float32)
    W_r = jax.random.normal(ks[3], (D, H), dtype=jnp.float32) * (1.0 / np.sqrt(D))
    # MLP params: Linear(H,H) -> ReLU -> Linear(H,O)
    W1 = jax.random.normal(ks[4], (H, H), dtype=jnp.float32) * (1.0 / np.sqrt(H))
    b1 = jnp.zeros((H,), dtype=jnp.float32)
    W2 = jax.random.normal(ks[5], (H, O), dtype=jnp.float32) * (1.0 / np.sqrt(H))
    b2 = jnp.zeros((O,), dtype=jnp.float32)
    return {"x": x, "edge_index": edge_index, "W_l": W_l, "b_l": b_l, "W_r": W_r,
            "W1": W1, "b1": b1, "W2": W2, "b2": b2}


def reference(x, edge_index, W_l, b_l, W_r, W1, b1, W2, b2):
    src = edge_index[0]
    dst = edge_index[1]
    # SAGEConv with mean aggregation: gather source features, scatter-mean to dst
    msgs = jnp.take(x, src, axis=0)
    summed = jax.ops.segment_sum(msgs, dst, num_segments=N)
    counts = jax.ops.segment_sum(jnp.ones((E,), dtype=x.dtype), dst, num_segments=N)
    mean = summed / jnp.maximum(counts, 1.0)[:, None]
    h = mean @ W_l + b_l + x @ W_r
    # MLP head
    out = jax.nn.relu(h @ W1 + b1) @ W2 + b2
    return out

if __name__ == "__main__":
    import jax
    _d = setup_inputs()
    print(jax.jit(kernel)(*tuple(_d.values())))

</pallas_src>

<mosaic_0001>
#map = affine_map<(d0, d1) -> (0, 0)>
#map1 = affine_map<(d0, d1) -> (0)>
module attributes {stable_mosaic.version = 14 : i64} {
  func.func @_sc_body(%arg0: i32, %arg1: i32, %arg2: memref<10000x128xf32, #tpu.memory_space<hbm>>, %arg3: memref<10000x128xf32, #tpu.memory_space<hbm>>, %arg4: memref<163840xi32, #tpu.memory_space<hbm>>, %arg5: memref<163840xi32, #tpu.memory_space<hbm>>, %arg6: memref<10240x128xf32, #tpu.memory_space<hbm>>, %arg7: memref<10240x128xf32, #tpu.memory_space<hbm>>, %arg8: memref<10240x128xf32, #tpu.memory_space<hbm>>, %arg9: memref<10240x128xf32, #tpu.memory_space<hbm>>, %arg10: memref<128xi32, #tpu.memory_space<vmem>>, %arg11: memref<128xi32, #tpu.memory_space<vmem>>, %arg12: memref<128xi32, #tpu.memory_space<vmem>>, %arg13: memref<128xi32, #tpu.memory_space<vmem>>, %arg14: memref<128xi32, #tpu.memory_space<vmem>>, %arg15: memref<128xi32, #tpu.memory_space<vmem>>, %arg16: memref<128xi32, #tpu.memory_space<vmem>>, %arg17: memref<128xi32, #tpu.memory_space<vmem>>, %arg18: memref<128x128xf32, #tpu.memory_space<vmem>>, %arg19: memref<128x128xf32, #tpu.memory_space<vmem>>, %arg20: memref<8x128xf32, #tpu.memory_space<vmem>>, %arg21: memref<8x128xf32, #tpu.memory_space<vmem>>, %arg22: memref<10240x128xf32, #tpu.memory_space<vmem_shared>>, %arg23: memref<!tpu.dma_semaphore, #tpu.memory_space<semaphore_mem>>, %arg24: memref<!tpu.dma_semaphore, #tpu.memory_space<semaphore_mem>>, %arg25: memref<!tpu.dma_semaphore, #tpu.memory_space<semaphore_mem>>, %arg26: memref<!tpu.dma_semaphore, #tpu.memory_space<semaphore_mem>>, %arg27: memref<!tpu.dma_semaphore, #tpu.memory_space<semaphore_mem>>, %arg28: memref<!tpu.dma_semaphore, #tpu.memory_space<semaphore_mem>>, %arg29: memref<!tpu.dma_semaphore, #tpu.memory_space<semaphore_mem>>, %arg30: memref<!tpu.dma_semaphore, #tpu.memory_space<semaphore_mem>>, %arg31: memref<!tpu.dma_semaphore, #tpu.memory_space<semaphore_mem>>, %arg32: memref<!tpu.dma_semaphore, #tpu.memory_space<semaphore_mem>>, %arg33: memref<!tpu.dma_semaphore, #tpu.memory_space<semaphore_mem>>, %arg34: memref<!tpu.dma_semaphore, #tpu.memory_space<semaphore_mem>>) attributes {dimension_semantics = [#tpu.dimension_semantics<core_parallel>, #tpu.dimension_semantics<subcore_parallel>], iteration_bounds = array<i64: 2, 16>, scalar_prefetch = 0 : i64, scratch_operands = 25 : i64, tpu.core_type = #tpu.core_type<sc_vector_subcore>, window_params = [{transform_indices = #map}, {transform_indices = #map}, {transform_indices = #map1}, {transform_indices = #map1}, {transform_indices = #map}, {transform_indices = #map}, {transform_indices = #map}, {transform_indices = #map}]} {
    %broadcast_in_dim3A = arith.constant 0.000000e+00 : f32
    %broadcast_in_dim3A_0 = vector.broadcast %broadcast_in_dim3A : f32 to vector<16xf32>
    %broadcast_in_dim3A_1 = arith.constant 1.000000e+00 : f32
    %broadcast_in_dim3A_2 = vector.broadcast %broadcast_in_dim3A_1 : f32 to vector<16xf32>
    %scan3A = arith.constant 0 : i32
    %scan3A_3 = arith.constant 0 : i32
    %scan3A_4 = arith.constant 128 : i32
    %scan3A_5 = arith.addi %scan3A_3, %scan3A_4 : i32
    %scan3A_6 = arith.constant 1 : i32
    %scan3A_7 = scf.for %scan3A_90 = %scan3A_3 to %scan3A_5 step %scan3A_6 iter_args(%scan3A_91 = %scan3A) -> (i32)  : i32 {
      %scan3A_92 = arith.constant 0 : i32
      %scan3A_93 = arith.constant 0 : i32
      %scan3A_94 = arith.constant 8 : i32
      %scan3A_95 = arith.addi %scan3A_93, %scan3A_94 : i32
      %scan3A_96 = arith.constant 1 : i32
      %scan3A_97 = scf.for %scan3A_100 = %scan3A_93 to %scan3A_95 step %scan3A_96 iter_args(%scan3A_101 = %scan3A_92) -> (i32)  : i32 {
        %mul3A_102 = arith.constant 16 : i32
        %mul3A_103 = arith.muli %scan3A_100, %mul3A_102 : i32
        %swap3A = arith.index_cast %scan3A_90 : i32 to index
        %swap3A_104 = arith.index_cast %mul3A_103 : i32 to index
        %swap3A_105 = tpu.vector_load %arg18[%swap3A, %swap3A_104] {strides = array<i32>} : memref<128x128xf32, #tpu.memory_space<vmem>>, vector<1x16xf32>,
        %swap3A_106 = vector.shape_cast %swap3A_105 : vector<1x16xf32> to vector<16xf32>
        %swap3A_107 = vector.shape_cast %broadcast_in_dim3A_0 : vector<16xf32> to vector<1x16xf32>
        tpu.vector_store %arg18[%swap3A, %swap3A_104], %swap3A_107 {strides = array<i32>} : memref<128x128xf32, #tpu.memory_space<vmem>>, vector<1x16xf32>,
        %scan3A_108 = arith.constant 0 : i32
        scf.yield %scan3A_108 : i32
      }
      %scan3A_98 = arith.constant 8 : i32
      %scan3A_99 = arith.constant 0 : i32
      scf.yield %scan3A_99 : i32
    }
    %scan3A_8 = arith.constant 128 : i32
    %scan3A_9 = arith.constant 0 : i32
    %scan3A_10 = arith.constant 0 : i32
    %scan3A_11 = arith.constant 5 : i32
    %scan3A_12 = arith.addi %scan3A_10, %scan3A_11 : i32
    %scan3A_13 = arith.constant 1 : i32
    %scan3A_14 = scf.for %scan3A_90 = %scan3A_10 to %scan3A_12 step %scan3A_13 iter_args(%scan3A_91 = %scan3A_9) -> (i32)  : i32 {
      %mul3A_92 = arith.constant 640 : i32
      %mul3A_93 = arith.muli %arg1, %mul3A_92 : i32
      %mul3A_94 = arith.constant 128 : i32
      %mul3A_95 = arith.muli %scan3A_90, %mul3A_94 : i32
      %add3A_96 = arith.addi %mul3A_93, %mul3A_95 : i32
      "tpu.region"() ({
        %run_scoped3A = tpu.sem_alloc : memref<!tpu.dma_semaphore, #tpu.memory_space<semaphore_mem>>
        %dma_start3A = arith.constant 0 : i32
        %dma_start3A_98 = tpu.memref_slice %arg22[%add3A_96, %dma_start3A] : memref<10240x128xf32, #tpu.memory_space<vmem_shared>> -> memref<128x128xf32, #tpu.memory_space<vmem_shared>>
        %dma_start3A_99 = arith.constant 0 : i32
        %dma_start3A_100 = tpu.memref_slice %arg22[%add3A_96, %dma_start3A_99] : memref<10240x128xf32, #tpu.memory_space<vmem_shared>> -> memref<128x128xf32, #tpu.memory_space<vmem_shared>>
        tpu.enqueue_dma source(%arg18 : memref<128x128xf32, #tpu.memory_space<vmem>>) target(%dma_start3A_100 : memref<128x128xf32, #tpu.memory_space<vmem_shared>>) target_semaphore(%run_scoped3A : memref<!tpu.dma_semaphore, #tpu.memory_space<semaphore_mem>>)
        %dma_wait3A = arith.constant 0 : i32
        %dma_wait3A_101 = tpu.memref_slice %arg22[%add3A_96, %dma_wait3A] : memref<10240x128xf32, #tpu.memory_space<vmem_shared>> -> memref<128x128xf32, #tpu.memory_space<vmem_shared>>
        %dma_wait3A_102 = arith.constant 0 : i32
        %dma_wait3A_103 = tpu.memref_slice %arg22[%add3A_96, %dma_wait3A_102] : memref<10240x128xf32, #tpu.memory_space<vmem_shared>> -> memref<128x128xf32, #tpu.memory_space<vmem_shared>>
        tpu.wait_dma2 semaphore(%run_scoped3A : memref<!tpu.dma_semaphore, #tpu.memory_space<semaphore_mem>>) src(%arg18 : memref<128x128xf32, #tpu.memory_space<vmem>>) dst(%dma_wait3A_103 : memref<128x128xf32, #tpu.memory_space<vmem_shared>>)
        tpu.yield
      }) : () -> ()
      %scan3A_97 = arith.constant 0 : i32
      scf.yield %scan3A_97 : i32
    }
    %scan3A_15 = arith.constant 5 : i32
    %barrier3A = arith.constant 0 : index
    tpu.barrier barrier_id(%barrier3A)
    %eq3A = arith.constant 0 : i32
    %eq3A_16 = arith.cmpi eq, %arg0, %eq3A : i32
    %convert_element_type3A = arith.extui %eq3A_16 : i1 to i32
    %cond3A = arith.constant 0 : i32
    %cond3A_17 = arith.cmpi ne, %convert_element_type3A, %cond3A : i32
    scf.if %cond3A_17 {
      %mul3A_90 = arith.constant 80 : i32
      %mul3A_91 = arith.muli %arg1, %mul3A_90 : i32
      %mul3A_92 = arith.constant 128 : i32
      %mul3A_93 = arith.muli %mul3A_91, %mul3A_92 : i32
      %add3A_94 = arith.constant 9984 : i32
      %add3A_95 = arith.addi %mul3A_93, %add3A_94 : i32
      %add3A_96 = arith.constant 0 : i32
      %add3A_97 = arith.addi %mul3A_93, %add3A_96 : i32
      %dma_start3A = tpu.memref_slice %arg4[%add3A_97] : memref<163840xi32, #tpu.memory_space<hbm>> -> memref<128xi32, #tpu.memory_space<hbm>>
      %dma_start3A_98 = tpu.memref_slice %arg4[%add3A_97] : memref<163840xi32, #tpu.memory_space<hbm>> -> memref<128xi32, #tpu.memory_space<hbm>>
      tpu.enqueue_dma source(%dma_start3A_98 : memref<128xi32, #tpu.memory_space<hbm>>) target(%arg10 : memref<128xi32, #tpu.memory_space<vmem>>) target_semaphore(%arg31 : memref<!tpu.dma_semaphore, #tpu.memory_space<semaphore_mem>>)
      %dma_start3A_99 = tpu.memref_slice %arg5[%add3A_97] : memref<163840xi32, #tpu.memory_space<hbm>> -> memref<128xi32, #tpu.memory_space<hbm>>
      %dma_start3A_100 = tpu.memref_slice %arg5[%add3A_97] : memref<163840xi32, #tpu.memory_space<hbm>> -> memref<128xi32, #tpu.memory_space<hbm>>
      tpu.enqueue_dma source(%dma_start3A_100 : memref<128xi32, #tpu.memory_space<hbm>>) target(%arg14 : memref<128xi32, #tpu.memory_space<vmem>>) target_semaphore(%arg31 : memref<!tpu.dma_semaphore, #tpu.memory_space<semaphore_mem>>)
      %add3A_101 = arith.constant 128 : i32
      %add3A_102 = arith.addi %mul3A_93, %add3A_101 : i32
      %dma_start3A_103 = tpu.memref_slice %arg4[%add3A_102] : memref<163840xi32, #tpu.memory_space<hbm>> -> memref<128xi32, #tpu.memory_space<hbm>>
      %dma_start3A_104 = tpu.memref_slice %arg4[%add3A_102] : memref<163840xi32, #tpu.memory_space<hbm>> -> memref<128xi32, #tpu.memory_space<hbm>>
      tpu.enqueue_dma source(%dma_start3A_104 : memref<128xi32, #tpu.memory_space<hbm>>) target(%arg11 : memref<128xi32, #tpu.memory_space<vmem>>) target_semaphore(%arg32 : memref<!tpu.dma_semaphore, #tpu.memory_space<semaphore_mem>>)
      %dma_start3A_105 = tpu.memref_slice %arg5[%add3A_102] : memref<163840xi32, #tpu.memory_space<hbm>> -> memref<128xi32, #tpu.memory_space<hbm>>
      %dma_start3A_106 = tpu.memref_slice %arg5[%add3A_102] : memref<163840xi32, #tpu.memory_space<hbm>> -> memref<128xi32, #tpu.memory_space<hbm>>
      tpu.enqueue_dma source(%dma_start3A_106 : memref<128xi32, #tpu.memory_space<hbm>>) target(%arg15 : memref<128xi32, #tpu.memory_space<vmem>>) target_semaphore(%arg32 : memref<!tpu.dma_semaphore, #tpu.memory_space<semaphore_mem>>)
      %dma_wait3A = tpu.memref_slice %arg4[%add3A_97] : memref<163840xi32, #tpu.memory_space<hbm>> -> memref<128xi32, #tpu.memory_space<hbm>>
      %dma_wait3A_107 = tpu.memref_slice %arg4[%add3A_97] : memref<163840xi32, #tpu.memory_space<hbm>> -> memref<128xi32, #tpu.memory_space<hbm>>
      tpu.wait_dma2 semaphore(%arg31 : memref<!tpu.dma_semaphore, #tpu.memory_space<semaphore_mem>>) src(%dma_wait3A_107 : memref<128xi32, #tpu.memory_space<hbm>>) dst(%arg10 : memref<128xi32, #tpu.memory_space<vmem>>)
      %dma_wait3A_108 = tpu.memref_slice %arg5[%add3A_97] : memref<163840xi32, #tpu.memory_space<hbm>> -> memref<128xi32, #tpu.memory_space<hbm>>
      %dma_wait3A_109 = tpu.memref_slice %arg5[%add3A_97] : memref<163840xi32, #tpu.memory_space<hbm>> -> memref<128xi32, #tpu.memory_space<hbm>>
      tpu.wait_dma2 semaphore(%arg31 : memref<!tpu.dma_semaphore, #tpu.memory_space<semaphore_mem>>) src(%dma_wait3A_109 : memref<128xi32, #tpu.memory_space<hbm>>) dst(%arg14 : memref<128xi32, #tpu.memory_space<vmem>>)
      %dma_start3A_110 = arith.constant 0 : i32
      %dma_start3A_111 = arith.constant 0 : i32
      %dma_start3A_112 = tpu.memref_slice %arg2[%dma_start3A_110, %dma_start3A_111] : memref<10000x128xf32, #tpu.memory_space<hbm>> -> memref<10000x128xf32, #tpu.memory_space<hbm>>
      tpu.enqueue_indirect_dma source(%dma_start3A_112 : memref<10000x128xf32, #tpu.memory_space<hbm>>) target(%arg18 : memref<128x128xf32, #tpu.memory_space<vmem>>) offsets(%arg10 : memref<128xi32, #tpu.memory_space<vmem>>) semaphore(%arg23 : memref<!tpu.dma_semaphore, #tpu.memory_space<semaphore_mem>>)
      %dma_wait3A_113 = tpu.memref_slice %arg4[%add3A_102] : memref<163840xi32, #tpu.memory_space<hbm>> -> memref<128xi32, #tpu.memory_space<hbm>>
      %dma_wait3A_114 = tpu.memref_slice %arg4[%add3A_102] : memref<163840xi32, #tpu.memory_space<hbm>> -> memref<128xi32, #tpu.memory_space<hbm>>
      tpu.wait_dma2 semaphore(%arg32 : memref<!tpu.dma_semaphore, #tpu.memory_space<semaphore_mem>>) src(%dma_wait3A_114 : memref<128xi32, #tpu.memory_space<hbm>>) dst(%arg11 : memref<128xi32, #tpu.memory_space<vmem>>)
      %dma_wait3A_115 = tpu.memref_slice %arg5[%add3A_102] : memref<163840xi32, #tpu.memory_space<hbm>> -> memref<128xi32, #tpu.memory_space<hbm>>
      %dma_wait3A_116 = tpu.memref_slice %arg5[%add3A_102] : memref<163840xi32, #tpu.memory_space<hbm>> -> memref<128xi32, #tpu.memory_space<hbm>>
      tpu.wait_dma2 semaphore(%arg32 : memref<!tpu.dma_semaphore, #tpu.memory_space<semaphore_mem>>) src(%dma_wait3A_116 : memref<128xi32, #tpu.memory_space<hbm>>) dst(%arg15 : memref<128xi32, #tpu.memory_space<vmem>>)
      %dma_start3A_117 = arith.constant 0 : i32
      %dma_start3A_118 = arith.constant 0 : i32
      %dma_start3A_119 = tpu.memref_slice %arg2[%dma_start3A_117, %dma_start3A_118] : memref<10000x128xf32, #tpu.memory_space<hbm>> -> memref<10000x128xf32, #tpu.memory_space<hbm>>
      tpu.enqueue_indirect_dma source(%dma_start3A_119 : memref<10000x128xf32, #tpu.memory_space<hbm>>) target(%arg19 : memref<128x128xf32, #tpu.memory_space<vmem>>) offsets(%arg11 : memref<128xi32, #tpu.memory_space<vmem>>) semaphore(%arg24 : memref<!tpu.dma_semaphore, #tpu.memory_space<semaphore_mem>>)
      %scan3A_120 = arith.constant 0 : i32
      %scan3A_121 = arith.constant 0 : i32
      %scan3A_122 = arith.constant 40 : i32
      %scan3A_123 = arith.addi %scan3A_121, %scan3A_122 : i32
      %scan3A_124 = arith.constant 1 : i32
      %scan3A_125 = scf.for %scan3A_133 = %scan3A_121 to %scan3A_123 step %scan3A_124 iter_args(%scan3A_134 = %scan3A_120) -> (i32)  : i32 {
        %mul3A_135 = arith.constant 2 : i32
        %mul3A_136 = arith.muli %mul3A_135, %scan3A_133 : i32
        %add3A_137 = arith.constant 2 : i32
        %add3A_138 = arith.addi %mul3A_136, %add3A_137 : i32
        %mul3A_139 = arith.constant 128 : i32
        %mul3A_140 = arith.muli %add3A_138, %mul3A_139 : i32
        %add3A_141 = arith.addi %mul3A_93, %mul3A_140 : i32
        %min3A = arith.minsi %add3A_141, %add3A_95 : i32
        %dma_wait3A_142 = arith.constant 0 : i32
        %dma_wait3A_143 = arith.constant 0 : i32
        %dma_wait3A_144 = tpu.memref_slice %arg2[%dma_wait3A_142, %dma_wait3A_143] : memref<10000x128xf32, #tpu.memory_space<hbm>> -> memref<10000x128xf32, #tpu.memory_space<hbm>>
        tpu.wait_indirect_dma semaphore(%arg23 : memref<!tpu.dma_semaphore, #tpu.memory_space<semaphore_mem>>) src(%dma_wait3A_144 : memref<10000x128xf32, #tpu.memory_space<hbm>>) dst(%arg18 : memref<128x128xf32, #tpu.memory_space<vmem>>)
        %dma_start3A_145 = arith.constant 0 : i32
        %dma_start3A_146 = arith.constant 0 : i32
        %dma_start3A_147 = tpu.memref_slice %arg22[%dma_start3A_145, %dma_start3A_146] : memref<10240x128xf32, #tpu.memory_space<vmem_shared>> -> memref<10240x128xf32, #tpu.memory_space<vmem_shared>>
        tpu.enqueue_indirect_dma source(%arg18 : memref<128x128xf32, #tpu.memory_space<vmem>>) target(%dma_start3A_147 : memref<10240x128xf32, #tpu.memory_space<vmem_shared>>) offsets(%arg14 : memref<128xi32, #tpu.memory_space<vmem>>) semaphore(%arg27 : memref<!tpu.dma_semaphore, #tpu.memory_space<semaphore_mem>>) {add = true}
        %dma_wait3A_148 = arith.constant 0 : i32
        %dma_wait3A_149 = arith.constant 0 : i32
        %dma_wait3A_150 = tpu.memref_slice %arg2[%dma_wait3A_148, %dma_wait3A_149] : memref<10000x128xf32, #tpu.memory_space<hbm>> -> memref<10000x128xf32, #tpu.memory_space<hbm>>
        tpu.wait_indirect_dma semaphore(%arg24 : memref<!tpu.dma_semaphore, #tpu.memory_space<semaphore_mem>>) src(%dma_wait3A_150 : memref<10000x128xf32, #tpu.memory_space<hbm>>) dst(%arg19 : memref<128x128xf32, #tpu.memory_space<vmem>>)
        %dma_start3A_151 = arith.constant 0 : i32
        %dma_start3A_152 = arith.constant 0 : i32
        %dma_start3A_153 = tpu.memref_slice %arg22[%dma_start3A_151, %dma_start3A_152] : memref<10240x128xf32, #tpu.memory_space<vmem_shared>> -> memref<10240x128xf32, #tpu.memory_space<vmem_shared>>
        tpu.enqueue_indirect_dma source(%arg19 : memref<128x128xf32, #tpu.memory_space<vmem>>) target(%dma_start3A_153 : memref<10240x128xf32, #tpu.memory_space<vmem_shared>>) offsets(%arg15 : memref<128xi32, #tpu.memory_space<vmem>>) semaphore(%arg28 : memref<!tpu.dma_semaphore, #tpu.memory_space<semaphore_mem>>) {add = true}
        %dma_wait3A_154 = arith.constant 0 : i32
        %dma_wait3A_155 = arith.constant 0 : i32
        %dma_wait3A_156 = tpu.memref_slice %arg22[%dma_wait3A_154, %dma_wait3A_155] : memref<10240x128xf32, #tpu.memory_space<vmem_shared>> -> memref<10240x128xf32, #tpu.memory_space<vmem_shared>>
        tpu.wait_indirect_dma semaphore(%arg27 : memref<!tpu.dma_semaphore, #tpu.memory_space<semaphore_mem>>) src(%arg18 : memref<128x128xf32, #tpu.memory_space<vmem>>) dst(%dma_wait3A_156 : memref<10240x128xf32, #tpu.memory_space<vmem_shared>>)
        %add3A_157 = arith.constant 0 : i32
        %add3A_158 = arith.addi %min3A, %add3A_157 : i32
        %dma_start3A_159 = tpu.memref_slice %arg4[%add3A_158] : memref<163840xi32, #tpu.memory_space<hbm>> -> memref<128xi32, #tpu.memory_space<hbm>>
        %dma_start3A_160 = tpu.memref_slice %arg4[%add3A_158] : memref<163840xi32, #tpu.memory_space<hbm>> -> memref<128xi32, #tpu.memory_space<hbm>>
        tpu.enqueue_dma source(%dma_start3A_160 : memref<128xi32, #tpu.memory_space<hbm>>) target(%arg10 : memref<128xi32, #tpu.memory_space<vmem>>) target_semaphore(%arg31 : memref<!tpu.dma_semaphore, #tpu.memory_space<semaphore_mem>>)
        %dma_start3A_161 = tpu.memref_slice %arg5[%add3A_158] : memref<163840xi32, #tpu.memory_space<hbm>> -> memref<128xi32, #tpu.memory_space<hbm>>
        %dma_start3A_162 = tpu.memref_slice %arg5[%add3A_158] : memref<163840xi32, #tpu.memory_space<hbm>> -> memref<128xi32, #tpu.memory_space<hbm>>
        tpu.enqueue_dma source(%dma_start3A_162 : memref<128xi32, #tpu.memory_space<hbm>>) target(%arg14 : memref<128xi32, #tpu.memory_space<vmem>>) target_semaphore(%arg31 : memref<!tpu.dma_semaphore, #tpu.memory_space<semaphore_mem>>)
        %dma_wait3A_163 = arith.constant 0 : i32
        %dma_wait3A_164 = arith.constant 0 : i32
        %dma_wait3A_165 = tpu.memref_slice %arg22[%dma_wait3A_163, %dma_wait3A_164] : memref<10240x128xf32, #tpu.memory_space<vmem_shared>> -> memref<10240x128xf32, #tpu.memory_space<vmem_shared>>
        tpu.wait_indirect_dma semaphore(%arg28 : memref<!tpu.dma_semaphore, #tpu.memory_space<semaphore_mem>>) src(%arg19 : memref<128x128xf32, #tpu.memory_space<vmem>>) dst(%dma_wait3A_165 : memref<10240x128xf32, #tpu.memory_space<vmem_shared>>)
        %add3A_166 = arith.constant 128 : i32
        %add3A_167 = arith.addi %min3A, %add3A_166 : i32
        %dma_start3A_168 = tpu.memref_slice %arg4[%add3A_167] : memref<163840xi32, #tpu.memory_space<hbm>> -> memref<128xi32, #tpu.memory_space<hbm>>
        %dma_start3A_169 = tpu.memref_slice %arg4[%add3A_167] : memref<163840xi32, #tpu.memory_space<hbm>> -> memref<128xi32, #tpu.memory_space<hbm>>
        tpu.enqueue_dma source(%dma_start3A_169 : memref<128xi32, #tpu.memory_space<hbm>>) target(%arg11 : memref<128xi32, #tpu.memory_space<vmem>>) target_semaphore(%arg32 : memref<!tpu.dma_semaphore, #tpu.memory_space<semaphore_mem>>)
        %dma_start3A_170 = tpu.memref_slice %arg5[%add3A_167] : memref<163840xi32, #tpu.memory_space<hbm>> -> memref<128xi32, #tpu.memory_space<hbm>>
        %dma_start3A_171 = tpu.memref_slice %arg5[%add3A_167] : memref<163840xi32, #tpu.memory_space<hbm>> -> memref<128xi32, #tpu.memory_space<hbm>>
        tpu.enqueue_dma source(%dma_start3A_171 : memref<128xi32, #tpu.memory_space<hbm>>) target(%arg15 : memref<128xi32, #tpu.memory_space<vmem>>) target_semaphore(%arg32 : memref<!tpu.dma_semaphore, #tpu.memory_space<semaphore_mem>>)
        %dma_wait3A_172 = tpu.memref_slice %arg4[%add3A_158] : memref<163840xi32, #tpu.memory_space<hbm>> -> memref<128xi32, #tpu.memory_space<hbm>>
        %dma_wait3A_173 = tpu.memref_slice %arg4[%add3A_158] : memref<163840xi32, #tpu.memory_space<hbm>> -> memref<128xi32, #tpu.memory_space<hbm>>
        tpu.wait_dma2 semaphore(%arg31 : memref<!tpu.dma_semaphore, #tpu.memory_space<semaphore_mem>>) src(%dma_wait3A_173 : memref<128xi32, #tpu.memory_space<hbm>>) dst(%arg10 : memref<128xi32, #tpu.memory_space<vmem>>)
        %dma_wait3A_174 = tpu.memref_slice %arg5[%add3A_158] : memref<163840xi32, #tpu.memory_space<hbm>> -> memref<128xi32, #tpu.memory_space<hbm>>
        %dma_wait3A_175 = tpu.memref_slice %arg5[%add3A_158] : memref<163840xi32, #tpu.memory_space<hbm>> -> memref<128xi32, #tpu.memory_space<hbm>>
        tpu.wait_dma2 semaphore(%arg31 : memref<!tpu.dma_semaphore, #tpu.memory_space<semaphore_mem>>) src(%dma_wait3A_175 : memref<128xi32, #tpu.memory_space<hbm>>) dst(%arg14 : memref<128xi32, #tpu.memory_space<vmem>>)
        %dma_start3A_176 = arith.constant 0 : i32
        %dma_start3A_177 = arith.constant 0 : i32
        %dma_start3A_178 = tpu.memref_slice %arg2[%dma_start3A_176, %dma_start3A_177] : memref<10000x128xf32, #tpu.memory_space<hbm>> -> memref<10000x128xf32, #tpu.memory_space<hbm>>
        tpu.enqueue_indirect_dma source(%dma_start3A_178 : memref<10000x128xf32, #tpu.memory_space<hbm>>) target(%arg18 : memref<128x128xf32, #tpu.memory_space<vmem>>) offsets(%arg10 : memref<128xi32, #tpu.memory_space<vmem>>) semaphore(%arg23 : memref<!tpu.dma_semaphore, #tpu.memory_space<semaphore_mem>>)
        %dma_wait3A_179 = tpu.memref_slice %arg4[%add3A_167] : memref<163840xi32, #tpu.memory_space<hbm>> -> memref<128xi32, #tpu.memory_space<hbm>>
        %dma_wait3A_180 = tpu.memref_slice %arg4[%add3A_167] : memref<163840xi32, #tpu.memory_space<hbm>> -> memref<128xi32, #tpu.memory_space<hbm>>
        tpu.wait_dma2 semaphore(%arg32 : memref<!tpu.dma_semaphore, #tpu.memory_space<semaphore_mem>>) src(%dma_wait3A_180 : memref<128xi32, #tpu.memory_space<hbm>>) dst(%arg11 : memref<128xi32, #tpu.memory_space<vmem>>)
        %dma_wait3A_181 = tpu.memref_slice %arg5[%add3A_167] : memref<163840xi32, #tpu.memory_space<hbm>> -> memref<128xi32, #tpu.memory_space<hbm>>
        %dma_wait3A_182 = tpu.memref_slice %arg5[%add3A_167] : memref<163840xi32, #tpu.memory_space<hbm>> -> memref<128xi32, #tpu.memory_space<hbm>>
        tpu.wait_dma2 semaphore(%arg32 : memref<!tpu.dma_semaphore, #tpu.memory_space<semaphore_mem>>) src(%dma_wait3A_182 : memref<128xi32, #tpu.memory_space<hbm>>) dst(%arg15 : memref<128xi32, #tpu.memory_space<vmem>>)
        %dma_start3A_183 = arith.constant 0 : i32
        %dma_start3A_184 = arith.constant 0 : i32
        %dma_start3A_185 = tpu.memref_slice %arg2[%dma_start3A_183, %dma_start3A_184] : memref<10000x128xf32, #tpu.memory_space<hbm>> -> memref<10000x128xf32, #tpu.memory_space<hbm>>
        tpu.enqueue_indirect_dma source(%dma_start3A_185 : memref<10000x128xf32, #tpu.memory_space<hbm>>) target(%arg19 : memref<128x128xf32, #tpu.memory_space<vmem>>) offsets(%arg11 : memref<128xi32, #tpu.memory_space<vmem>>) semaphore(%arg24 : memref<!tpu.dma_semaphore, #tpu.memory_space<semaphore_mem>>)
        %scan3A_186 = arith.constant 0 : i32
        scf.yield %scan3A_186 : i32
      }
      %scan3A_126 = arith.constant 40 : i32
      %dma_wait3A_127 = arith.constant 0 : i32
      %dma_wait3A_128 = arith.constant 0 : i32
      %dma_wait3A_129 = tpu.memref_slice %arg2[%dma_wait3A_127, %dma_wait3A_128] : memref<10000x128xf32, #tpu.memory_space<hbm>> -> memref<10000x128xf32, #tpu.memory_space<hbm>>
      tpu.wait_indirect_dma semaphore(%arg23 : memref<!tpu.dma_semaphore, #tpu.memory_space<semaphore_mem>>) src(%dma_wait3A_129 : memref<10000x128xf32, #tpu.memory_space<hbm>>) dst(%arg18 : memref<128x128xf32, #tpu.memory_space<vmem>>)
      %dma_wait3A_130 = arith.constant 0 : i32
      %dma_wait3A_131 = arith.constant 0 : i32
      %dma_wait3A_132 = tpu.memref_slice %arg2[%dma_wait3A_130, %dma_wait3A_131] : memref<10000x128xf32, #tpu.memory_space<hbm>> -> memref<10000x128xf32, #tpu.memory_space<hbm>>
      tpu.wait_indirect_dma semaphore(%arg24 : memref<!tpu.dma_semaphore, #tpu.memory_space<semaphore_mem>>) src(%dma_wait3A_132 : memref<10000x128xf32, #tpu.memory_space<hbm>>) dst(%arg19 : memref<128x128xf32, #tpu.memory_space<vmem>>)
    } else {
    }
    %eq3A_18 = arith.constant 1 : i32
    %eq3A_19 = arith.cmpi eq, %arg0, %eq3A_18 : i32
    %convert_element_type3A_20 = arith.extui %eq3A_19 : i1 to i32
    %cond3A_21 = arith.constant 0 : i32
    %cond3A_22 = arith.cmpi ne, %convert_element_type3A_20, %cond3A_21 : i32
    scf.if %cond3A_22 {
      %mul3A_90 = arith.constant 80 : i32
      %mul3A_91 = arith.muli %arg1, %mul3A_90 : i32
      %mul3A_92 = arith.constant 128 : i32
      %mul3A_93 = arith.muli %mul3A_91, %mul3A_92 : i32
      %add3A_94 = arith.constant 9984 : i32
      %add3A_95 = arith.addi %mul3A_93, %add3A_94 : i32
      %add3A_96 = arith.constant 0 : i32
      %add3A_97 = arith.addi %mul3A_93, %add3A_96 : i32
      %dma_start3A = tpu.memref_slice %arg4[%add3A_97] : memref<163840xi32, #tpu.memory_space<hbm>> -> memref<128xi32, #tpu.memory_space<hbm>>
      %dma_start3A_98 = tpu.memref_slice %arg4[%add3A_97] : memref<163840xi32, #tpu.memory_space<hbm>> -> memref<128xi32, #tpu.memory_space<hbm>>
      tpu.enqueue_dma source(%dma_start3A_98 : memref<128xi32, #tpu.memory_space<hbm>>) target(%arg10 : memref<128xi32, #tpu.memory_space<vmem>>) target_semaphore(%arg31 : memref<!tpu.dma_semaphore, #tpu.memory_space<semaphore_mem>>)
      %dma_start3A_99 = tpu.memref_slice %arg5[%add3A_97] : memref<163840xi32, #tpu.memory_space<hbm>> -> memref<128xi32, #tpu.memory_space<hbm>>
      %dma_start3A_100 = tpu.memref_slice %arg5[%add3A_97] : memref<163840xi32, #tpu.memory_space<hbm>> -> memref<128xi32, #tpu.memory_space<hbm>>
      tpu.enqueue_dma source(%dma_start3A_100 : memref<128xi32, #tpu.memory_space<hbm>>) target(%arg14 : memref<128xi32, #tpu.memory_space<vmem>>) target_semaphore(%arg31 : memref<!tpu.dma_semaphore, #tpu.memory_space<semaphore_mem>>)
      %add3A_101 = arith.constant 128 : i32
      %add3A_102 = arith.addi %mul3A_93, %add3A_101 : i32
      %dma_start3A_103 = tpu.memref_slice %arg4[%add3A_102] : memref<163840xi32, #tpu.memory_space<hbm>> -> memref<128xi32, #tpu.memory_space<hbm>>
      %dma_start3A_104 = tpu.memref_slice %arg4[%add3A_102] : memref<163840xi32, #tpu.memory_space<hbm>> -> memref<128xi32, #tpu.memory_space<hbm>>
      tpu.enqueue_dma source(%dma_start3A_104 : memref<128xi32, #tpu.memory_space<hbm>>) target(%arg11 : memref<128xi32, #tpu.memory_space<vmem>>) target_semaphore(%arg32 : memref<!tpu.dma_semaphore, #tpu.memory_space<semaphore_mem>>)
      %dma_start3A_105 = tpu.memref_slice %arg5[%add3A_102] : memref<163840xi32, #tpu.memory_space<hbm>> -> memref<128xi32, #tpu.memory_space<hbm>>
      %dma_start3A_106 = tpu.memref_slice %arg5[%add3A_102] : memref<163840xi32, #tpu.memory_space<hbm>> -> memref<128xi32, #tpu.memory_space<hbm>>
      tpu.enqueue_dma source(%dma_start3A_106 : memref<128xi32, #tpu.memory_space<hbm>>) target(%arg15 : memref<128xi32, #tpu.memory_space<vmem>>) target_semaphore(%arg32 : memref<!tpu.dma_semaphore, #tpu.memory_space<semaphore_mem>>)
      %dma_wait3A = tpu.memref_slice %arg4[%add3A_97] : memref<163840xi32, #tpu.memory_space<hbm>> -> memref<128xi32, #tpu.memory_space<hbm>>
      %dma_wait3A_107 = tpu.memref_slice %arg4[%add3A_97] : memref<163840xi32, #tpu.memory_space<hbm>> -> memref<128xi32, #tpu.memory_space<hbm>>
      tpu.wait_dma2 semaphore(%arg31 : memref<!tpu.dma_semaphore, #tpu.memory_space<semaphore_mem>>) src(%dma_wait3A_107 : memref<128xi32, #tpu.memory_space<hbm>>) dst(%arg10 : memref<128xi32, #tpu.memory_space<vmem>>)
      %dma_wait3A_108 = tpu.memref_slice %arg5[%add3A_97] : memref<163840xi32, #tpu.memory_space<hbm>> -> memref<128xi32, #tpu.memory_space<hbm>>
      %dma_wait3A_109 = tpu.memref_slice %arg5[%add3A_97] : memref<163840xi32, #tpu.memory_space<hbm>> -> memref<128xi32, #tpu.memory_space<hbm>>
      tpu.wait_dma2 semaphore(%arg31 : memref<!tpu.dma_semaphore, #tpu.memory_space<semaphore_mem>>) src(%dma_wait3A_109 : memref<128xi32, #tpu.memory_space<hbm>>) dst(%arg14 : memref<128xi32, #tpu.memory_space<vmem>>)
      %dma_start3A_110 = arith.constant 0 : i32
      %dma_start3A_111 = arith.constant 0 : i32
      %dma_start3A_112 = tpu.memref_slice %arg3[%dma_start3A_110, %dma_start3A_111] : memref<10000x128xf32, #tpu.memory_space<hbm>> -> memref<10000x128xf32, #tpu.memory_space<hbm>>
      tpu.enqueue_indirect_dma source(%dma_start3A_112 : memref<10000x128xf32, #tpu.memory_space<hbm>>) target(%arg18 : memref<128x128xf32, #tpu.memory_space<vmem>>) offsets(%arg10 : memref<128xi32, #tpu.memory_space<vmem>>) semaphore(%arg23 : memref<!tpu.dma_semaphore, #tpu.memory_space<semaphore_mem>>)
      %dma_wait3A_113 = tpu.memref_slice %arg4[%add3A_102] : memref<163840xi32, #tpu.memory_space<hbm>> -> memref<128xi32, #tpu.memory_space<hbm>>
      %dma_wait3A_114 = tpu.memref_slice %arg4[%add3A_102] : memref<163840xi32, #tpu.memory_space<hbm>> -> memref<128xi32, #tpu.memory_space<hbm>>
      tpu.wait_dma2 semaphore(%arg32 : memref<!tpu.dma_semaphore, #tpu.memory_space<semaphore_mem>>) src(%dma_wait3A_114 : memref<128xi32, #tpu.memory_space<hbm>>) dst(%arg11 : memref<128xi32, #tpu.memory_space<vmem>>)
      %dma_wait3A_115 = tpu.memref_slice %arg5[%add3A_102] : memref<163840xi32, #tpu.memory_space<hbm>> -> memref<128xi32, #tpu.memory_space<hbm>>
      %dma_wait3A_116 = tpu.memref_slice %arg5[%add3A_102] : memref<163840xi32, #tpu.memory_space<hbm>> -> memref<128xi32, #tpu.memory_space<hbm>>
      tpu.wait_dma2 semaphore(%arg32 : memref<!tpu.dma_semaphore, #tpu.memory_space<semaphore_mem>>) src(%dma_wait3A_116 : memref<128xi32, #tpu.memory_space<hbm>>) dst(%arg15 : memref<128xi32, #tpu.memory_space<vmem>>)
      %dma_start3A_117 = arith.constant 0 : i32
      %dma_start3A_118 = arith.constant 0 : i32
      %dma_start3A_119 = tpu.memref_slice %arg3[%dma_start3A_117, %dma_start3A_118] : memref<10000x128xf32, #tpu.memory_space<hbm>> -> memref<10000x128xf32, #tpu.memory_space<hbm>>
      tpu.enqueue_indirect_dma source(%dma_start3A_119 : memref<10000x128xf32, #tpu.memory_space<hbm>>) target(%arg19 : memref<128x128xf32, #tpu.memory_space<vmem>>) offsets(%arg11 : memref<128xi32, #tpu.memory_space<vmem>>) semaphore(%arg24 : memref<!tpu.dma_semaphore, #tpu.memory_space<semaphore_mem>>)
      %scan3A_120 = arith.constant 0 : i32
      %scan3A_121 = arith.constant 0 : i32
      %scan3A_122 = arith.constant 40 : i32
      %scan3A_123 = arith.addi %scan3A_121, %scan3A_122 : i32
      %scan3A_124 = arith.constant 1 : i32
      %scan3A_125 = scf.for %scan3A_133 = %scan3A_121 to %scan3A_123 step %scan3A_124 iter_args(%scan3A_134 = %scan3A_120) -> (i32)  : i32 {
        %mul3A_135 = arith.constant 2 : i32
        %mul3A_136 = arith.muli %mul3A_135, %scan3A_133 : i32
        %add3A_137 = arith.constant 2 : i32
        %add3A_138 = arith.addi %mul3A_136, %add3A_137 : i32
        %mul3A_139 = arith.constant 128 : i32
        %mul3A_140 = arith.muli %add3A_138, %mul3A_139 : i32
        %add3A_141 = arith.addi %mul3A_93, %mul3A_140 : i32
        %min3A = arith.minsi %add3A_141, %add3A_95 : i32
        %dma_wait3A_142 = arith.constant 0 : i32
        %dma_wait3A_143 = arith.constant 0 : i32
        %dma_wait3A_144 = tpu.memref_slice %arg3[%dma_wait3A_142, %dma_wait3A_143] : memref<10000x128xf32, #tpu.memory_space<hbm>> -> memref<10000x128xf32, #tpu.memory_space<hbm>>
        tpu.wait_indirect_dma semaphore(%arg23 : memref<!tpu.dma_semaphore, #tpu.memory_space<semaphore_mem>>) src(%dma_wait3A_144 : memref<10000x128xf32, #tpu.memory_space<hbm>>) dst(%arg18 : memref<128x128xf32, #tpu.memory_space<vmem>>)
        %dma_start3A_145 = arith.constant 0 : i32
        %dma_start3A_146 = arith.constant 0 : i32
        %dma_start3A_147 = tpu.memref_slice %arg22[%dma_start3A_145, %dma_start3A_146] : memref<10240x128xf32, #tpu.memory_space<vmem_shared>> -> memref<10240x128xf32, #tpu.memory_space<vmem_shared>>
        tpu.enqueue_indirect_dma source(%arg18 : memref<128x128xf32, #tpu.memory_space<vmem>>) target(%dma_start3A_147 : memref<10240x128xf32, #tpu.memory_space<vmem_shared>>) offsets(%arg14 : memref<128xi32, #tpu.memory_space<vmem>>) semaphore(%arg27 : memref<!tpu.dma_semaphore, #tpu.memory_space<semaphore_mem>>) {add = true}
        %dma_wait3A_148 = arith.constant 0 : i32
        %dma_wait3A_149 = arith.constant 0 : i32
        %dma_wait3A_150 = tpu.memref_slice %arg3[%dma_wait3A_148, %dma_wait3A_149] : memref<10000x128xf32, #tpu.memory_space<hbm>> -> memref<10000x128xf32, #tpu.memory_space<hbm>>
        tpu.wait_indirect_dma semaphore(%arg24 : memref<!tpu.dma_semaphore, #tpu.memory_space<semaphore_mem>>) src(%dma_wait3A_150 : memref<10000x128xf32, #tpu.memory_space<hbm>>) dst(%arg19 : memref<128x128xf32, #tpu.memory_space<vmem>>)
        %dma_start3A_151 = arith.constant 0 : i32
        %dma_start3A_152 = arith.constant 0 : i32
        %dma_start3A_153 = tpu.memref_slice %arg22[%dma_start3A_151, %dma_start3A_152] : memref<10240x128xf32, #tpu.memory_space<vmem_shared>> -> memref<10240x128xf32, #tpu.memory_space<vmem_shared>>
        tpu.enqueue_indirect_dma source(%arg19 : memref<128x128xf32, #tpu.memory_space<vmem>>) target(%dma_start3A_153 : memref<10240x128xf32, #tpu.memory_space<vmem_shared>>) offsets(%arg15 : memref<128xi32, #tpu.memory_space<vmem>>) semaphore(%arg28 : memref<!tpu.dma_semaphore, #tpu.memory_space<semaphore_mem>>) {add = true}
        %dma_wait3A_154 = arith.constant 0 : i32
        %dma_wait3A_155 = arith.constant 0 : i32
        %dma_wait3A_156 = tpu.memref_slice %arg22[%dma_wait3A_154, %dma_wait3A_155] : memref<10240x128xf32, #tpu.memory_space<vmem_shared>> -> memref<10240x128xf32, #tpu.memory_space<vmem_shared>>
        tpu.wait_indirect_dma semaphore(%arg27 : memref<!tpu.dma_semaphore, #tpu.memory_space<semaphore_mem>>) src(%arg18 : memref<128x128xf32, #tpu.memory_space<vmem>>) dst(%dma_wait3A_156 : memref<10240x128xf32, #tpu.memory_space<vmem_shared>>)
        %add3A_157 = arith.constant 0 : i32
        %add3A_158 = arith.addi %min3A, %add3A_157 : i32
        %dma_start3A_159 = tpu.memref_slice %arg4[%add3A_158] : memref<163840xi32, #tpu.memory_space<hbm>> -> memref<128xi32, #tpu.memory_space<hbm>>
        %dma_start3A_160 = tpu.memref_slice %arg4[%add3A_158] : memref<163840xi32, #tpu.memory_space<hbm>> -> memref<128xi32, #tpu.memory_space<hbm>>
        tpu.enqueue_dma source(%dma_start3A_160 : memref<128xi32, #tpu.memory_space<hbm>>) target(%arg10 : memref<128xi32, #tpu.memory_space<vmem>>) target_semaphore(%arg31 : memref<!tpu.dma_semaphore, #tpu.memory_space<semaphore_mem>>)
        %dma_start3A_161 = tpu.memref_slice %arg5[%add3A_158] : memref<163840xi32, #tpu.memory_space<hbm>> -> memref<128xi32, #tpu.memory_space<hbm>>
        %dma_start3A_162 = tpu.memref_slice %arg5[%add3A_158] : memref<163840xi32, #tpu.memory_space<hbm>> -> memref<128xi32, #tpu.memory_space<hbm>>
        tpu.enqueue_dma source(%dma_start3A_162 : memref<128xi32, #tpu.memory_space<hbm>>) target(%arg14 : memref<128xi32, #tpu.memory_space<vmem>>) target_semaphore(%arg31 : memref<!tpu.dma_semaphore, #tpu.memory_space<semaphore_mem>>)
        %dma_wait3A_163 = arith.constant 0 : i32
        %dma_wait3A_164 = arith.constant 0 : i32
        %dma_wait3A_165 = tpu.memref_slice %arg22[%dma_wait3A_163, %dma_wait3A_164] : memref<10240x128xf32, #tpu.memory_space<vmem_shared>> -> memref<10240x128xf32, #tpu.memory_space<vmem_shared>>
        tpu.wait_indirect_dma semaphore(%arg28 : memref<!tpu.dma_semaphore, #tpu.memory_space<semaphore_mem>>) src(%arg19 : memref<128x128xf32, #tpu.memory_space<vmem>>) dst(%dma_wait3A_165 : memref<10240x128xf32, #tpu.memory_space<vmem_shared>>)
        %add3A_166 = arith.constant 128 : i32
        %add3A_167 = arith.addi %min3A, %add3A_166 : i32
        %dma_start3A_168 = tpu.memref_slice %arg4[%add3A_167] : memref<163840xi32, #tpu.memory_space<hbm>> -> memref<128xi32, #tpu.memory_space<hbm>>
        %dma_start3A_169 = tpu.memref_slice %arg4[%add3A_167] : memref<163840xi32, #tpu.memory_space<hbm>> -> memref<128xi32, #tpu.memory_space<hbm>>
        tpu.enqueue_dma source(%dma_start3A_169 : memref<128xi32, #tpu.memory_space<hbm>>) target(%arg11 : memref<128xi32, #tpu.memory_space<vmem>>) target_semaphore(%arg32 : memref<!tpu.dma_semaphore, #tpu.memory_space<semaphore_mem>>)
        %dma_start3A_170 = tpu.memref_slice %arg5[%add3A_167] : memref<163840xi32, #tpu.memory_space<hbm>> -> memref<128xi32, #tpu.memory_space<hbm>>
        %dma_start3A_171 = tpu.memref_slice %arg5[%add3A_167] : memref<163840xi32, #tpu.memory_space<hbm>> -> memref<128xi32, #tpu.memory_space<hbm>>
        tpu.enqueue_dma source(%dma_start3A_171 : memref<128xi32, #tpu.memory_space<hbm>>) target(%arg15 : memref<128xi32, #tpu.memory_space<vmem>>) target_semaphore(%arg32 : memref<!tpu.dma_semaphore, #tpu.memory_space<semaphore_mem>>)
        %dma_wait3A_172 = tpu.memref_slice %arg4[%add3A_158] : memref<163840xi32, #tpu.memory_space<hbm>> -> memref<128xi32, #tpu.memory_space<hbm>>
        %dma_wait3A_173 = tpu.memref_slice %arg4[%add3A_158] : memref<163840xi32, #tpu.memory_space<hbm>> -> memref<128xi32, #tpu.memory_space<hbm>>
        tpu.wait_dma2 semaphore(%arg31 : memref<!tpu.dma_semaphore, #tpu.memory_space<semaphore_mem>>) src(%dma_wait3A_173 : memref<128xi32, #tpu.memory_space<hbm>>) dst(%arg10 : memref<128xi32, #tpu.memory_space<vmem>>)
        %dma_wait3A_174 = tpu.memref_slice %arg5[%add3A_158] : memref<163840xi32, #tpu.memory_space<hbm>> -> memref<128xi32, #tpu.memory_space<hbm>>
        %dma_wait3A_175 = tpu.memref_slice %arg5[%add3A_158] : memref<163840xi32, #tpu.memory_space<hbm>> -> memref<128xi32, #tpu.memory_space<hbm>>
        tpu.wait_dma2 semaphore(%arg31 : memref<!tpu.dma_semaphore, #tpu.memory_space<semaphore_mem>>) src(%dma_wait3A_175 : memref<128xi32, #tpu.memory_space<hbm>>) dst(%arg14 : memref<128xi32, #tpu.memory_space<vmem>>)
        %dma_start3A_176 = arith.constant 0 : i32
        %dma_start3A_177 = arith.constant 0 : i32
        %dma_start3A_178 = tpu.memref_slice %arg3[%dma_start3A_176, %dma_start3A_177] : memref<10000x128xf32, #tpu.memory_space<hbm>> -> memref<10000x128xf32, #tpu.memory_space<hbm>>
        tpu.enqueue_indirect_dma source(%dma_start3A_178 : memref<10000x128xf32, #tpu.memory_space<hbm>>) target(%arg18 : memref<128x128xf32, #tpu.memory_space<vmem>>) offsets(%arg10 : memref<128xi32, #tpu.memory_space<vmem>>) semaphore(%arg23 : memref<!tpu.dma_semaphore, #tpu.memory_space<semaphore_mem>>)
        %dma_wait3A_179 = tpu.memref_slice %arg4[%add3A_167] : memref<163840xi32, #tpu.memory_space<hbm>> -> memref<128xi32, #tpu.memory_space<hbm>>
        %dma_wait3A_180 = tpu.memref_slice %arg4[%add3A_167] : memref<163840xi32, #tpu.memory_space<hbm>> -> memref<128xi32, #tpu.memory_space<hbm>>
        tpu.wait_dma2 semaphore(%arg32 : memref<!tpu.dma_semaphore, #tpu.memory_space<semaphore_mem>>) src(%dma_wait3A_180 : memref<128xi32, #tpu.memory_space<hbm>>) dst(%arg11 : memref<128xi32, #tpu.memory_space<vmem>>)
        %dma_wait3A_181 = tpu.memref_slice %arg5[%add3A_167] : memref<163840xi32, #tpu.memory_space<hbm>> -> memref<128xi32, #tpu.memory_space<hbm>>
        %dma_wait3A_182 = tpu.memref_slice %arg5[%add3A_167] : memref<163840xi32, #tpu.memory_space<hbm>> -> memref<128xi32, #tpu.memory_space<hbm>>
        tpu.wait_dma2 semaphore(%arg32 : memref<!tpu.dma_semaphore, #tpu.memory_space<semaphore_mem>>) src(%dma_wait3A_182 : memref<128xi32, #tpu.memory_space<hbm>>) dst(%arg15 : memref<128xi32, #tpu.memory_space<vmem>>)
        %dma_start3A_183 = arith.constant 0 : i32
        %dma_start3A_184 = arith.constant 0 : i32
        %dma_start3A_185 = tpu.memref_slice %arg3[%dma_start3A_183, %dma_start3A_184] : memref<10000x128xf32, #tpu.memory_space<hbm>> -> memref<10000x128xf32, #tpu.memory_space<hbm>>
        tpu.enqueue_indirect_dma source(%dma_start3A_185 : memref<10000x128xf32, #tpu.memory_space<hbm>>) target(%arg19 : memref<128x128xf32, #tpu.memory_space<vmem>>) offsets(%arg11 : memref<128xi32, #tpu.memory_space<vmem>>) semaphore(%arg24 : memref<!tpu.dma_semaphore, #tpu.memory_space<semaphore_mem>>)
        %scan3A_186 = arith.constant 0 : i32
        scf.yield %scan3A_186 : i32
      }
      %scan3A_126 = arith.constant 40 : i32
      %dma_wait3A_127 = arith.constant 0 : i32
      %dma_wait3A_128 = arith.constant 0 : i32
      %dma_wait3A_129 = tpu.memref_slice %arg3[%dma_wait3A_127, %dma_wait3A_128] : memref<10000x128xf32, #tpu.memory_space<hbm>> -> memref<10000x128xf32, #tpu.memory_space<hbm>>
      tpu.wait_indirect_dma semaphore(%arg23 : memref<!tpu.dma_semaphore, #tpu.memory_space<semaphore_mem>>) src(%dma_wait3A_129 : memref<10000x128xf32, #tpu.memory_space<hbm>>) dst(%arg18 : memref<128x128xf32, #tpu.memory_space<vmem>>)
      %dma_wait3A_130 = arith.constant 0 : i32
      %dma_wait3A_131 = arith.constant 0 : i32
      %dma_wait3A_132 = tpu.memref_slice %arg3[%dma_wait3A_130, %dma_wait3A_131] : memref<10000x128xf32, #tpu.memory_space<hbm>> -> memref<10000x128xf32, #tpu.memory_space<hbm>>
      tpu.wait_indirect_dma semaphore(%arg24 : memref<!tpu.dma_semaphore, #tpu.memory_space<semaphore_mem>>) src(%dma_wait3A_132 : memref<10000x128xf32, #tpu.memory_space<hbm>>) dst(%arg19 : memref<128x128xf32, #tpu.memory_space<vmem>>)
    } else {
    }
    %barrier3A_23 = arith.constant 0 : index
    tpu.barrier barrier_id(%barrier3A_23)
    %eq3A_24 = arith.constant 0 : i32
    %eq3A_25 = arith.cmpi eq, %arg0, %eq3A_24 : i32
    %convert_element_type3A_26 = arith.extui %eq3A_25 : i1 to i32
    %cond3A_27 = arith.constant 0 : i32
    %cond3A_28 = arith.cmpi ne, %convert_element_type3A_26, %cond3A_27 : i32
    scf.if %cond3A_28 {
      %scan3A_90 = arith.constant 0 : i32
      %scan3A_91 = arith.constant 0 : i32
      %scan3A_92 = arith.constant 5 : i32
      %scan3A_93 = arith.addi %scan3A_91, %scan3A_92 : i32
      %scan3A_94 = arith.constant 1 : i32
      %scan3A_95 = scf.for %scan3A_97 = %scan3A_91 to %scan3A_93 step %scan3A_94 iter_args(%scan3A_98 = %scan3A_90) -> (i32)  : i32 {
        %mul3A_99 = arith.constant 640 : i32
        %mul3A_100 = arith.muli %arg1, %mul3A_99 : i32
        %mul3A_101 = arith.constant 128 : i32
        %mul3A_102 = arith.muli %scan3A_97, %mul3A_101 : i32
        %add3A_103 = arith.addi %mul3A_100, %mul3A_102 : i32
        "tpu.region"() ({
          %run_scoped3A = tpu.sem_alloc : memref<!tpu.dma_semaphore, #tpu.memory_space<semaphore_mem>>
          %dma_start3A = arith.constant 0 : i32
          %dma_start3A_105 = tpu.memref_slice %arg22[%add3A_103, %dma_start3A] : memref<10240x128xf32, #tpu.memory_space<vmem_shared>> -> memref<128x128xf32, #tpu.memory_space<vmem_shared>>
          %dma_start3A_106 = arith.constant 0 : i32
          %dma_start3A_107 = tpu.memref_slice %arg22[%add3A_103, %dma_start3A_106] : memref<10240x128xf32, #tpu.memory_space<vmem_shared>> -> memref<128x128xf32, #tpu.memory_space<vmem_shared>>
          tpu.enqueue_dma source(%dma_start3A_107 : memref<128x128xf32, #tpu.memory_space<vmem_shared>>) target(%arg18 : memref<128x128xf32, #tpu.memory_space<vmem>>) target_semaphore(%run_scoped3A : memref<!tpu.dma_semaphore, #tpu.memory_space<semaphore_mem>>)
          %dma_wait3A = arith.constant 0 : i32
          %dma_wait3A_108 = tpu.memref_slice %arg22[%add3A_103, %dma_wait3A] : memref<10240x128xf32, #tpu.memory_space<vmem_shared>> -> memref<128x128xf32, #tpu.memory_space<vmem_shared>>
          %dma_wait3A_109 = arith.constant 0 : i32
          %dma_wait3A_110 = tpu.memref_slice %arg22[%add3A_103, %dma_wait3A_109] : memref<10240x128xf32, #tpu.memory_space<vmem_shared>> -> memref<128x128xf32, #tpu.memory_space<vmem_shared>>
          tpu.wait_dma2 semaphore(%run_scoped3A : memref<!tpu.dma_semaphore, #tpu.memory_space<semaphore_mem>>) src(%dma_wait3A_110 : memref<128x128xf32, #tpu.memory_space<vmem_shared>>) dst(%arg18 : memref<128x128xf32, #tpu.memory_space<vmem>>)
          tpu.yield
        }) : () -> ()
        "tpu.region"() ({
          %run_scoped3A = tpu.sem_alloc : memref<!tpu.dma_semaphore, #tpu.memory_space<semaphore_mem>>
          %dma_start3A = arith.constant 0 : i32
          %dma_start3A_105 = tpu.memref_slice %arg6[%add3A_103, %dma_start3A] : memref<10240x128xf32, #tpu.memory_space<hbm>> -> memref<128x128xf32, #tpu.memory_space<hbm>>
          %dma_start3A_106 = arith.constant 0 : i32
          %dma_start3A_107 = tpu.memref_slice %arg6[%add3A_103, %dma_start3A_106] : memref<10240x128xf32, #tpu.memory_space<hbm>> -> memref<128x128xf32, #tpu.memory_space<hbm>>
          tpu.enqueue_dma source(%arg18 : memref<128x128xf32, #tpu.memory_space<vmem>>) target(%dma_start3A_107 : memref<128x128xf32, #tpu.memory_space<hbm>>) target_semaphore(%run_scoped3A : memref<!tpu.dma_semaphore, #tpu.memory_space<semaphore_mem>>)
          %dma_wait3A = arith.constant 0 : i32
          %dma_wait3A_108 = tpu.memref_slice %arg6[%add3A_103, %dma_wait3A] : memref<10240x128xf32, #tpu.memory_space<hbm>> -> memref<128x128xf32, #tpu.memory_space<hbm>>
          %dma_wait3A_109 = arith.constant 0 : i32
          %dma_wait3A_110 = tpu.memref_slice %arg6[%add3A_103, %dma_wait3A_109] : memref<10240x128xf32, #tpu.memory_space<hbm>> -> memref<128x128xf32, #tpu.memory_space<hbm>>
          tpu.wait_dma2 semaphore(%run_scoped3A : memref<!tpu.dma_semaphore, #tpu.memory_space<semaphore_mem>>) src(%arg18 : memref<128x128xf32, #tpu.memory_space<vmem>>) dst(%dma_wait3A_110 : memref<128x128xf32, #tpu.memory_space<hbm>>)
          tpu.yield
        }) : () -> ()
        %scan3A_104 = arith.constant 0 : i32
        scf.yield %scan3A_104 : i32
      }
      %scan3A_96 = arith.constant 5 : i32
    } else {
    }
    %eq3A_29 = arith.constant 1 : i32
    %eq3A_30 = arith.cmpi eq, %arg0, %eq3A_29 : i32
    %convert_element_type3A_31 = arith.extui %eq3A_30 : i1 to i32
    %cond3A_32 = arith.constant 0 : i32
    %cond3A_33 = arith.cmpi ne, %convert_element_type3A_31, %cond3A_32 : i32
    scf.if %cond3A_33 {
      %scan3A_90 = arith.constant 0 : i32
      %scan3A_91 = arith.constant 0 : i32
      %scan3A_92 = arith.constant 5 : i32
      %scan3A_93 = arith.addi %scan3A_91, %scan3A_92 : i32
      %scan3A_94 = arith.constant 1 : i32
      %scan3A_95 = scf.for %scan3A_97 = %scan3A_91 to %scan3A_93 step %scan3A_94 iter_args(%scan3A_98 = %scan3A_90) -> (i32)  : i32 {
        %mul3A_99 = arith.constant 640 : i32
        %mul3A_100 = arith.muli %arg1, %mul3A_99 : i32
        %mul3A_101 = arith.constant 128 : i32
        %mul3A_102 = arith.muli %scan3A_97, %mul3A_101 : i32
        %add3A_103 = arith.addi %mul3A_100, %mul3A_102 : i32
        "tpu.region"() ({
          %run_scoped3A = tpu.sem_alloc : memref<!tpu.dma_semaphore, #tpu.memory_space<semaphore_mem>>
          %dma_start3A = arith.constant 0 : i32
          %dma_start3A_105 = tpu.memref_slice %arg22[%add3A_103, %dma_start3A] : memref<10240x128xf32, #tpu.memory_space<vmem_shared>> -> memref<128x128xf32, #tpu.memory_space<vmem_shared>>
          %dma_start3A_106 = arith.constant 0 : i32
          %dma_start3A_107 = tpu.memref_slice %arg22[%add3A_103, %dma_start3A_106] : memref<10240x128xf32, #tpu.memory_space<vmem_shared>> -> memref<128x128xf32, #tpu.memory_space<vmem_shared>>
          tpu.enqueue_dma source(%dma_start3A_107 : memref<128x128xf32, #tpu.memory_space<vmem_shared>>) target(%arg18 : memref<128x128xf32, #tpu.memory_space<vmem>>) target_semaphore(%run_scoped3A : memref<!tpu.dma_semaphore, #tpu.memory_space<semaphore_mem>>)
          %dma_wait3A = arith.constant 0 : i32
          %dma_wait3A_108 = tpu.memref_slice %arg22[%add3A_103, %dma_wait3A] : memref<10240x128xf32, #tpu.memory_space<vmem_shared>> -> memref<128x128xf32, #tpu.memory_space<vmem_shared>>
          %dma_wait3A_109 = arith.constant 0 : i32
          %dma_wait3A_110 = tpu.memref_slice %arg22[%add3A_103, %dma_wait3A_109] : memref<10240x128xf32, #tpu.memory_space<vmem_shared>> -> memref<128x128xf32, #tpu.memory_space<vmem_shared>>
          tpu.wait_dma2 semaphore(%run_scoped3A : memref<!tpu.dma_semaphore, #tpu.memory_space<semaphore_mem>>) src(%dma_wait3A_110 : memref<128x128xf32, #tpu.memory_space<vmem_shared>>) dst(%arg18 : memref<128x128xf32, #tpu.memory_space<vmem>>)
          tpu.yield
        }) : () -> ()
        "tpu.region"() ({
          %run_scoped3A = tpu.sem_alloc : memref<!tpu.dma_semaphore, #tpu.memory_space<semaphore_mem>>
          %dma_start3A = arith.constant 0 : i32
          %dma_start3A_105 = tpu.memref_slice %arg7[%add3A_103, %dma_start3A] : memref<10240x128xf32, #tpu.memory_space<hbm>> -> memref<128x128xf32, #tpu.memory_space<hbm>>
          %dma_start3A_106 = arith.constant 0 : i32
          %dma_start3A_107 = tpu.memref_slice %arg7[%add3A_103, %dma_start3A_106] : memref<10240x128xf32, #tpu.memory_space<hbm>> -> memref<128x128xf32, #tpu.memory_space<hbm>>
          tpu.enqueue_dma source(%arg18 : memref<128x128xf32, #tpu.memory_space<vmem>>) target(%dma_start3A_107 : memref<128x128xf32, #tpu.memory_space<hbm>>) target_semaphore(%run_scoped3A : memref<!tpu.dma_semaphore, #tpu.memory_space<semaphore_mem>>)
          %dma_wait3A = arith.constant 0 : i32
          %dma_wait3A_108 = tpu.memref_slice %arg7[%add3A_103, %dma_wait3A] : memref<10240x128xf32, #tpu.memory_space<hbm>> -> memref<128x128xf32, #tpu.memory_space<hbm>>
          %dma_wait3A_109 = arith.constant 0 : i32
          %dma_wait3A_110 = tpu.memref_slice %arg7[%add3A_103, %dma_wait3A_109] : memref<10240x128xf32, #tpu.memory_space<hbm>> -> memref<128x128xf32, #tpu.memory_space<hbm>>
          tpu.wait_dma2 semaphore(%run_scoped3A : memref<!tpu.dma_semaphore, #tpu.memory_space<semaphore_mem>>) src(%arg18 : memref<128x128xf32, #tpu.memory_space<vmem>>) dst(%dma_wait3A_110 : memref<128x128xf32, #tpu.memory_space<hbm>>)
          tpu.yield
        }) : () -> ()
        %scan3A_104 = arith.constant 0 : i32
        scf.yield %scan3A_104 : i32
      }
      %scan3A_96 = arith.constant 5 : i32
    } else {
    }
    %barrier3A_34 = arith.constant 0 : index
    tpu.barrier barrier_id(%barrier3A_34)
    %scan3A_35 = arith.constant 0 : i32
    %scan3A_36 = arith.constant 0 : i32
    %scan3A_37 = arith.constant 128 : i32
    %scan3A_38 = arith.addi %scan3A_36, %scan3A_37 : i32
    %scan3A_39 = arith.constant 1 : i32
    %scan3A_40 = scf.for %scan3A_90 = %scan3A_36 to %scan3A_38 step %scan3A_39 iter_args(%scan3A_91 = %scan3A_35) -> (i32)  : i32 {
      %scan3A_92 = arith.constant 0 : i32
      %scan3A_93 = arith.constant 0 : i32
      %scan3A_94 = arith.constant 8 : i32
      %scan3A_95 = arith.addi %scan3A_93, %scan3A_94 : i32
      %scan3A_96 = arith.constant 1 : i32
      %scan3A_97 = scf.for %scan3A_100 = %scan3A_93 to %scan3A_95 step %scan3A_96 iter_args(%scan3A_101 = %scan3A_92) -> (i32)  : i32 {
        %mul3A_102 = arith.constant 16 : i32
        %mul3A_103 = arith.muli %scan3A_100, %mul3A_102 : i32
        %swap3A = arith.index_cast %scan3A_90 : i32 to index
        %swap3A_104 = arith.index_cast %mul3A_103 : i32 to index
        %swap3A_105 = tpu.vector_load %arg19[%swap3A, %swap3A_104] {strides = array<i32>} : memref<128x128xf32, #tpu.memory_space<vmem>>, vector<1x16xf32>,
        %swap3A_106 = vector.shape_cast %swap3A_105 : vector<1x16xf32> to vector<16xf32>
        %swap3A_107 = vector.shape_cast %broadcast_in_dim3A_0 : vector<16xf32> to vector<1x16xf32>
        tpu.vector_store %arg19[%swap3A, %swap3A_104], %swap3A_107 {strides = array<i32>} : memref<128x128xf32, #tpu.memory_space<vmem>>, vector<1x16xf32>,
        %scan3A_108 = arith.constant 0 : i32
        scf.yield %scan3A_108 : i32
      }
      %scan3A_98 = arith.constant 8 : i32
      %scan3A_99 = arith.constant 0 : i32
      scf.yield %scan3A_99 : i32
    }
    %scan3A_41 = arith.constant 128 : i32
    %scan3A_42 = arith.constant 0 : i32
    %scan3A_43 = arith.constant 0 : i32
    %scan3A_44 = arith.constant 5 : i32
    %scan3A_45 = arith.addi %scan3A_43, %scan3A_44 : i32
    %scan3A_46 = arith.constant 1 : i32
    %scan3A_47 = scf.for %scan3A_90 = %scan3A_43 to %scan3A_45 step %scan3A_46 iter_args(%scan3A_91 = %scan3A_42) -> (i32)  : i32 {
      %mul3A_92 = arith.constant 640 : i32
      %mul3A_93 = arith.muli %arg1, %mul3A_92 : i32
      %mul3A_94 = arith.constant 128 : i32
      %mul3A_95 = arith.muli %scan3A_90, %mul3A_94 : i32
      %add3A_96 = arith.addi %mul3A_93, %mul3A_95 : i32
      "tpu.region"() ({
        %run_scoped3A = tpu.sem_alloc : memref<!tpu.dma_semaphore, #tpu.memory_space<semaphore_mem>>
        %dma_start3A = arith.constant 0 : i32
        %dma_start3A_98 = tpu.memref_slice %arg22[%add3A_96, %dma_start3A] : memref<10240x128xf32, #tpu.memory_space<vmem_shared>> -> memref<128x128xf32, #tpu.memory_space<vmem_shared>>
        %dma_start3A_99 = arith.constant 0 : i32
        %dma_start3A_100 = tpu.memref_slice %arg22[%add3A_96, %dma_start3A_99] : memref<10240x128xf32, #tpu.memory_space<vmem_shared>> -> memref<128x128xf32, #tpu.memory_space<vmem_shared>>
        tpu.enqueue_dma source(%arg19 : memref<128x128xf32, #tpu.memory_space<vmem>>) target(%dma_start3A_100 : memref<128x128xf32, #tpu.memory_space<vmem_shared>>) target_semaphore(%run_scoped3A : memref<!tpu.dma_semaphore, #tpu.memory_space<semaphore_mem>>)
        %dma_wait3A = arith.constant 0 : i32
        %dma_wait3A_101 = tpu.memref_slice %arg22[%add3A_96, %dma_wait3A] : memref<10240x128xf32, #tpu.memory_space<vmem_shared>> -> memref<128x128xf32, #tpu.memory_space<vmem_shared>>
        %dma_wait3A_102 = arith.constant 0 : i32
        %dma_wait3A_103 = tpu.memref_slice %arg22[%add3A_96, %dma_wait3A_102] : memref<10240x128xf32, #tpu.memory_space<vmem_shared>> -> memref<128x128xf32, #tpu.memory_space<vmem_shared>>
        tpu.wait_dma2 semaphore(%run_scoped3A : memref<!tpu.dma_semaphore, #tpu.memory_space<semaphore_mem>>) src(%arg19 : memref<128x128xf32, #tpu.memory_space<vmem>>) dst(%dma_wait3A_103 : memref<128x128xf32, #tpu.memory_space<vmem_shared>>)
        tpu.yield
      }) : () -> ()
      %scan3A_97 = arith.constant 0 : i32
      scf.yield %scan3A_97 : i32
    }
    %scan3A_48 = arith.constant 5 : i32
    %scan3A_49 = arith.constant 0 : i32
    %scan3A_50 = arith.constant 0 : i32
    %scan3A_51 = arith.constant 128 : i32
    %scan3A_52 = arith.addi %scan3A_50, %scan3A_51 : i32
    %scan3A_53 = arith.constant 1 : i32
    %scan3A_54 = scf.for %scan3A_90 = %scan3A_50 to %scan3A_52 step %scan3A_53 iter_args(%scan3A_91 = %scan3A_49) -> (i32)  : i32 {
      %scan3A_92 = arith.constant 0 : i32
      %scan3A_93 = arith.constant 0 : i32
      %scan3A_94 = arith.constant 8 : i32
      %scan3A_95 = arith.addi %scan3A_93, %scan3A_94 : i32
      %scan3A_96 = arith.constant 1 : i32
      %scan3A_97 = scf.for %scan3A_100 = %scan3A_93 to %scan3A_95 step %scan3A_96 iter_args(%scan3A_101 = %scan3A_92) -> (i32)  : i32 {
        %mul3A_102 = arith.constant 16 : i32
        %mul3A_103 = arith.muli %scan3A_100, %mul3A_102 : i32
        %swap3A = arith.index_cast %scan3A_90 : i32 to index
        %swap3A_104 = arith.index_cast %mul3A_103 : i32 to index
        %swap3A_105 = tpu.vector_load %arg18[%swap3A, %swap3A_104] {strides = array<i32>} : memref<128x128xf32, #tpu.memory_space<vmem>>, vector<1x16xf32>,
        %swap3A_106 = vector.shape_cast %swap3A_105 : vector<1x16xf32> to vector<16xf32>
        %swap3A_107 = vector.shape_cast %broadcast_in_dim3A_2 : vector<16xf32> to vector<1x16xf32>
        tpu.vector_store %arg18[%swap3A, %swap3A_104], %swap3A_107 {strides = array<i32>} : memref<128x128xf32, #tpu.memory_space<vmem>>, vector<1x16xf32>,
        %scan3A_108 = arith.constant 0 : i32
        scf.yield %scan3A_108 : i32
      }
      %scan3A_98 = arith.constant 8 : i32
      %scan3A_99 = arith.constant 0 : i32
      scf.yield %scan3A_99 : i32
    }
    %scan3A_55 = arith.constant 128 : i32
    %barrier3A_56 = arith.constant 0 : index
    tpu.barrier barrier_id(%barrier3A_56)
    %mul3A = arith.constant 16 : i32
    %mul3A_57 = arith.muli %arg0, %mul3A : i32
    %add3A = arith.addi %mul3A_57, %arg1 : i32
    %mul3A_58 = arith.constant 40 : i32
    %mul3A_59 = arith.muli %add3A, %mul3A_58 : i32
    %mul3A_60 = arith.constant 128 : i32
    %mul3A_61 = arith.muli %mul3A_59, %mul3A_60 : i32
    %add3A_62 = arith.constant 4608 : i32
    %add3A_63 = arith.addi %mul3A_61, %add3A_62 : i32
    %add3A_64 = arith.constant 0 : i32
    %add3A_65 = arith.addi %mul3A_61, %add3A_64 : i32
    "tpu.region"() ({
      %run_scoped3A = tpu.sem_alloc : memref<!tpu.dma_semaphore, #tpu.memory_space<semaphore_mem>>
      %dma_start3A = tpu.memref_slice %arg5[%add3A_65] : memref<163840xi32, #tpu.memory_space<hbm>> -> memref<128xi32, #tpu.memory_space<hbm>>
      %dma_start3A_90 = tpu.memref_slice %arg5[%add3A_65] : memref<163840xi32, #tpu.memory_space<hbm>> -> memref<128xi32, #tpu.memory_space<hbm>>
      tpu.enqueue_dma source(%dma_start3A_90 : memref<128xi32, #tpu.memory_space<hbm>>) target(%arg14 : memref<128xi32, #tpu.memory_space<vmem>>) target_semaphore(%run_scoped3A : memref<!tpu.dma_semaphore, #tpu.memory_space<semaphore_mem>>)
      %dma_wait3A = tpu.memref_slice %arg5[%add3A_65] : memref<163840xi32, #tpu.memory_space<hbm>> -> memref<128xi32, #tpu.memory_space<hbm>>
      %dma_wait3A_91 = tpu.memref_slice %arg5[%add3A_65] : memref<163840xi32, #tpu.memory_space<hbm>> -> memref<128xi32, #tpu.memory_space<hbm>>
      tpu.wait_dma2 semaphore(%run_scoped3A : memref<!tpu.dma_semaphore, #tpu.memory_space<semaphore_mem>>) src(%dma_wait3A_91 : memref<128xi32, #tpu.memory_space<hbm>>) dst(%arg14 : memref<128xi32, #tpu.memory_space<vmem>>)
      tpu.yield
    }) : () -> ()
    %add3A_66 = arith.constant 128 : i32
    %add3A_67 = arith.addi %mul3A_61, %add3A_66 : i32
    "tpu.region"() ({
      %run_scoped3A = tpu.sem_alloc : memref<!tpu.dma_semaphore, #tpu.memory_space<semaphore_mem>>
      %dma_start3A = tpu.memref_slice %arg5[%add3A_67] : memref<163840xi32, #tpu.memory_space<hbm>> -> memref<128xi32, #tpu.memory_space<hbm>>
      %dma_start3A_90 = tpu.memref_slice %arg5[%add3A_67] : memref<163840xi32, #tpu.memory_space<hbm>> -> memref<128xi32, #tpu.memory_space<hbm>>
      tpu.enqueue_dma source(%dma_start3A_90 : memref<128xi32, #tpu.memory_space<hbm>>) target(%arg15 : memref<128xi32, #tpu.memory_space<vmem>>) target_semaphore(%run_scoped3A : memref<!tpu.dma_semaphore, #tpu.memory_space<semaphore_mem>>)
      %dma_wait3A = tpu.memref_slice %arg5[%add3A_67] : memref<163840xi32, #tpu.memory_space<hbm>> -> memref<128xi32, #tpu.memory_space<hbm>>
      %dma_wait3A_91 = tpu.memref_slice %arg5[%add3A_67] : memref<163840xi32, #tpu.memory_space<hbm>> -> memref<128xi32, #tpu.memory_space<hbm>>
      tpu.wait_dma2 semaphore(%run_scoped3A : memref<!tpu.dma_semaphore, #tpu.memory_space<semaphore_mem>>) src(%dma_wait3A_91 : memref<128xi32, #tpu.memory_space<hbm>>) dst(%arg15 : memref<128xi32, #tpu.memory_space<vmem>>)
      tpu.yield
    }) : () -> ()
    %add3A_68 = arith.constant 256 : i32
    %add3A_69 = arith.addi %mul3A_61, %add3A_68 : i32
    "tpu.region"() ({
      %run_scoped3A = tpu.sem_alloc : memref<!tpu.dma_semaphore, #tpu.memory_space<semaphore_mem>>
      %dma_start3A = tpu.memref_slice %arg5[%add3A_69] : memref<163840xi32, #tpu.memory_space<hbm>> -> memref<128xi32, #tpu.memory_space<hbm>>
      %dma_start3A_90 = tpu.memref_slice %arg5[%add3A_69] : memref<163840xi32, #tpu.memory_space<hbm>> -> memref<128xi32, #tpu.memory_space<hbm>>
      tpu.enqueue_dma source(%dma_start3A_90 : memref<128xi32, #tpu.memory_space<hbm>>) target(%arg16 : memref<128xi32, #tpu.memory_space<vmem>>) target_semaphore(%run_scoped3A : memref<!tpu.dma_semaphore, #tpu.memory_space<semaphore_mem>>)
      %dma_wait3A = tpu.memref_slice %arg5[%add3A_69] : memref<163840xi32, #tpu.memory_space<hbm>> -> memref<128xi32, #tpu.memory_space<hbm>>
      %dma_wait3A_91 = tpu.memref_slice %arg5[%add3A_69] : memref<163840xi32, #tpu.memory_space<hbm>> -> memref<128xi32, #tpu.memory_space<hbm>>
      tpu.wait_dma2 semaphore(%run_scoped3A : memref<!tpu.dma_semaphore, #tpu.memory_space<semaphore_mem>>) src(%dma_wait3A_91 : memref<128xi32, #tpu.memory_space<hbm>>) dst(%arg16 : memref<128xi32, #tpu.memory_space<vmem>>)
      tpu.yield
    }) : () -> ()
    %add3A_70 = arith.constant 384 : i32
    %add3A_71 = arith.addi %mul3A_61, %add3A_70 : i32
    "tpu.region"() ({
      %run_scoped3A = tpu.sem_alloc : memref<!tpu.dma_semaphore, #tpu.memory_space<semaphore_mem>>
      %dma_start3A = tpu.memref_slice %arg5[%add3A_71] : memref<163840xi32, #tpu.memory_space<hbm>> -> memref<128xi32, #tpu.memory_space<hbm>>
      %dma_start3A_90 = tpu.memref_slice %arg5[%add3A_71] : memref<163840xi32, #tpu.memory_space<hbm>> -> memref<128xi32, #tpu.memory_space<hbm>>
      tpu.enqueue_dma source(%dma_start3A_90 : memref<128xi32, #tpu.memory_space<hbm>>) target(%arg17 : memref<128xi32, #tpu.memory_space<vmem>>) target_semaphore(%run_scoped3A : memref<!tpu.dma_semaphore, #tpu.memory_space<semaphore_mem>>)
      %dma_wait3A = tpu.memref_slice %arg5[%add3A_71] : memref<163840xi32, #tpu.memory_space<hbm>> -> memref<128xi32, #tpu.memory_space<hbm>>
      %dma_wait3A_91 = tpu.memref_slice %arg5[%add3A_71] : memref<163840xi32, #tpu.memory_space<hbm>> -> memref<128xi32, #tpu.memory_space<hbm>>
      tpu.wait_dma2 semaphore(%run_scoped3A : memref<!tpu.dma_semaphore, #tpu.memory_space<semaphore_mem>>) src(%dma_wait3A_91 : memref<128xi32, #tpu.memory_space<hbm>>) dst(%arg17 : memref<128xi32, #tpu.memory_space<vmem>>)
      tpu.yield
    }) : () -> ()
    %scan3A_72 = arith.constant 0 : i32
    %scan3A_73 = arith.constant 0 : i32
    %scan3A_74 = arith.constant 10 : i32
    %scan3A_75 = arith.addi %scan3A_73, %scan3A_74 : i32
    %scan3A_76 = arith.constant 1 : i32
    %scan3A_77 = scf.for %scan3A_90 = %scan3A_73 to %scan3A_75 step %scan3A_76 iter_args(%scan3A_91 = %scan3A_72) -> (i32)  : i32 {
      %mul3A_92 = arith.constant 4 : i32
      %mul3A_93 = arith.muli %mul3A_92, %scan3A_90 : i32
      %add3A_94 = arith.constant 4 : i32
      %add3A_95 = arith.addi %mul3A_93, %add3A_94 : i32
      %mul3A_96 = arith.constant 128 : i32
      %mul3A_97 = arith.muli %add3A_95, %mul3A_96 : i32
      %add3A_98 = arith.addi %mul3A_61, %mul3A_97 : i32
      %min3A = arith.minsi %add3A_98, %add3A_63 : i32
      %dma_start3A = arith.constant 0 : i32
      %dma_start3A_99 = arith.constant 0 : i32
      %dma_start3A_100 = tpu.memref_slice %arg22[%dma_start3A, %dma_start3A_99] : memref<10240x128xf32, #tpu.memory_space<vmem_shared>> -> memref<10240x128xf32, #tpu.memory_space<vmem_shared>>
      tpu.enqueue_indirect_dma source(%arg18 : memref<128x128xf32, #tpu.memory_space<vmem>>) target(%dma_start3A_100 : memref<10240x128xf32, #tpu.memory_space<vmem_shared>>) offsets(%arg14 : memref<128xi32, #tpu.memory_space<vmem>>) semaphore(%arg27 : memref<!tpu.dma_semaphore, #tpu.memory_space<semaphore_mem>>) {add = true}
      %dma_start3A_101 = arith.constant 0 : i32
      %dma_start3A_102 = arith.constant 0 : i32
      %dma_start3A_103 = tpu.memref_slice %arg22[%dma_start3A_101, %dma_start3A_102] : memref<10240x128xf32, #tpu.memory_space<vmem_shared>> -> memref<10240x128xf32, #tpu.memory_space<vmem_shared>>
      tpu.enqueue_indirect_dma source(%arg18 : memref<128x128xf32, #tpu.memory_space<vmem>>) target(%dma_start3A_103 : memref<10240x128xf32, #tpu.memory_space<vmem_shared>>) offsets(%arg15 : memref<128xi32, #tpu.memory_space<vmem>>) semaphore(%arg28 : memref<!tpu.dma_semaphore, #tpu.memory_space<semaphore_mem>>) {add = true}
      %dma_start3A_104 = arith.constant 0 : i32
      %dma_start3A_105 = arith.constant 0 : i32
      %dma_start3A_106 = tpu.memref_slice %arg22[%dma_start3A_104, %dma_start3A_105] : memref<10240x128xf32, #tpu.memory_space<vmem_shared>> -> memref<10240x128xf32, #tpu.memory_space<vmem_shared>>
      tpu.enqueue_indirect_dma source(%arg18 : memref<128x128xf32, #tpu.memory_space<vmem>>) target(%dma_start3A_106 : memref<10240x128xf32, #tpu.memory_space<vmem_shared>>) offsets(%arg16 : memref<128xi32, #tpu.memory_space<vmem>>) semaphore(%arg27 : memref<!tpu.dma_semaphore, #tpu.memory_space<semaphore_mem>>) {add = true}
      %dma_start3A_107 = arith.constant 0 : i32
      %dma_start3A_108 = arith.constant 0 : i32
      %dma_start3A_109 = tpu.memref_slice %arg22[%dma_start3A_107, %dma_start3A_108] : memref<10240x128xf32, #tpu.memory_space<vmem_shared>> -> memref<10240x128xf32, #tpu.memory_space<vmem_shared>>
      tpu.enqueue_indirect_dma source(%arg18 : memref<128x128xf32, #tpu.memory_space<vmem>>) target(%dma_start3A_109 : memref<10240x128xf32, #tpu.memory_space<vmem_shared>>) offsets(%arg17 : memref<128xi32, #tpu.memory_space<vmem>>) semaphore(%arg28 : memref<!tpu.dma_semaphore, #tpu.memory_space<semaphore_mem>>) {add = true}
      %dma_wait3A = arith.constant 0 : i32
      %dma_wait3A_110 = arith.constant 0 : i32
      %dma_wait3A_111 = tpu.memref_slice %arg22[%dma_wait3A, %dma_wait3A_110] : memref<10240x128xf32, #tpu.memory_space<vmem_shared>> -> memref<10240x128xf32, #tpu.memory_space<vmem_shared>>
      tpu.wait_indirect_dma semaphore(%arg27 : memref<!tpu.dma_semaphore, #tpu.memory_space<semaphore_mem>>) src(%arg18 : memref<128x128xf32, #tpu.memory_space<vmem>>) dst(%dma_wait3A_111 : memref<10240x128xf32, #tpu.memory_space<vmem_shared>>)
      %add3A_112 = arith.constant 0 : i32
      %add3A_113 = arith.addi %min3A, %add3A_112 : i32
      "tpu.region"() ({
        %run_scoped3A = tpu.sem_alloc : memref<!tpu.dma_semaphore, #tpu.memory_space<semaphore_mem>>
        %dma_start3A_130 = tpu.memref_slice %arg5[%add3A_113] : memref<163840xi32, #tpu.memory_space<hbm>> -> memref<128xi32, #tpu.memory_space<hbm>>
        %dma_start3A_131 = tpu.memref_slice %arg5[%add3A_113] : memref<163840xi32, #tpu.memory_space<hbm>> -> memref<128xi32, #tpu.memory_space<hbm>>
        tpu.enqueue_dma source(%dma_start3A_131 : memref<128xi32, #tpu.memory_space<hbm>>) target(%arg14 : memref<128xi32, #tpu.memory_space<vmem>>) target_semaphore(%run_scoped3A : memref<!tpu.dma_semaphore, #tpu.memory_space<semaphore_mem>>)
        %dma_wait3A_132 = tpu.memref_slice %arg5[%add3A_113] : memref<163840xi32, #tpu.memory_space<hbm>> -> memref<128xi32, #tpu.memory_space<hbm>>
        %dma_wait3A_133 = tpu.memref_slice %arg5[%add3A_113] : memref<163840xi32, #tpu.memory_space<hbm>> -> memref<128xi32, #tpu.memory_space<hbm>>
        tpu.wait_dma2 semaphore(%run_scoped3A : memref<!tpu.dma_semaphore, #tpu.memory_space<semaphore_mem>>) src(%dma_wait3A_133 : memref<128xi32, #tpu.memory_space<hbm>>) dst(%arg14 : memref<128xi32, #tpu.memory_space<vmem>>)
        tpu.yield
      }) : () -> ()
      %dma_wait3A_114 = arith.constant 0 : i32
      %dma_wait3A_115 = arith.constant 0 : i32
      %dma_wait3A_116 = tpu.memref_slice %arg22[%dma_wait3A_114, %dma_wait3A_115] : memref<10240x128xf32, #tpu.memory_space<vmem_shared>> -> memref<10240x128xf32, #tpu.memory_space<vmem_shared>>
      tpu.wait_indirect_dma semaphore(%arg28 : memref<!tpu.dma_semaphore, #tpu.memory_space<semaphore_mem>>) src(%arg18 : memref<128x128xf32, #tpu.memory_space<vmem>>) dst(%dma_wait3A_116 : memref<10240x128xf32, #tpu.memory_space<vmem_shared>>)
      %add3A_117 = arith.constant 128 : i32
      %add3A_118 = arith.addi %min3A, %add3A_117 : i32
      "tpu.region"() ({
        %run_scoped3A = tpu.sem_alloc : memref<!tpu.dma_semaphore, #tpu.memory_space<semaphore_mem>>
        %dma_start3A_130 = tpu.memref_slice %arg5[%add3A_118] : memref<163840xi32, #tpu.memory_space<hbm>> -> memref<128xi32, #tpu.memory_space<hbm>>
        %dma_start3A_131 = tpu.memref_slice %arg5[%add3A_118] : memref<163840xi32, #tpu.memory_space<hbm>> -> memref<128xi32, #tpu.memory_space<hbm>>
        tpu.enqueue_dma source(%dma_start3A_131 : memref<128xi32, #tpu.memory_space<hbm>>) target(%arg15 : memref<128xi32, #tpu.memory_space<vmem>>) target_semaphore(%run_scoped3A : memref<!tpu.dma_semaphore, #tpu.memory_space<semaphore_mem>>)
        %dma_wait3A_132 = tpu.memref_slice %arg5[%add3A_118] : memref<163840xi32, #tpu.memory_space<hbm>> -> memref<128xi32, #tpu.memory_space<hbm>>
        %dma_wait3A_133 = tpu.memref_slice %arg5[%add3A_118] : memref<163840xi32, #tpu.memory_space<hbm>> -> memref<128xi32, #tpu.memory_space<hbm>>
        tpu.wait_dma2 semaphore(%run_scoped3A : memref<!tpu.dma_semaphore, #tpu.memory_space<semaphore_mem>>) src(%dma_wait3A_133 : memref<128xi32, #tpu.memory_space<hbm>>) dst(%arg15 : memref<128xi32, #tpu.memory_space<vmem>>)
        tpu.yield
      }) : () -> ()
      %dma_wait3A_119 = arith.constant 0 : i32
      %dma_wait3A_120 = arith.constant 0 : i32
      %dma_wait3A_121 = tpu.memref_slice %arg22[%dma_wait3A_119, %dma_wait3A_120] : memref<10240x128xf32, #tpu.memory_space<vmem_shared>> -> memref<10240x128xf32, #tpu.memory_space<vmem_shared>>
      tpu.wait_indirect_dma semaphore(%arg27 : memref<!tpu.dma_semaphore, #tpu.memory_space<semaphore_mem>>) src(%arg18 : memref<128x128xf32, #tpu.memory_space<vmem>>) dst(%dma_wait3A_121 : memref<10240x128xf32, #tpu.memory_space<vmem_shared>>)
      %add3A_122 = arith.constant 256 : i32
      %add3A_123 = arith.addi %min3A, %add3A_122 : i32
      "tpu.region"() ({
        %run_scoped3A = tpu.sem_alloc : memref<!tpu.dma_semaphore, #tpu.memory_space<semaphore_mem>>
        %dma_start3A_130 = tpu.memref_slice %arg5[%add3A_123] : memref<163840xi32, #tpu.memory_space<hbm>> -> memref<128xi32, #tpu.memory_space<hbm>>
        %dma_start3A_131 = tpu.memref_slice %arg5[%add3A_123] : memref<163840xi32, #tpu.memory_space<hbm>> -> memref<128xi32, #tpu.memory_space<hbm>>
        tpu.enqueue_dma source(%dma_start3A_131 : memref<128xi32, #tpu.memory_space<hbm>>) target(%arg16 : memref<128xi32, #tpu.memory_space<vmem>>) target_semaphore(%run_scoped3A : memref<!tpu.dma_semaphore, #tpu.memory_space<semaphore_mem>>)
        %dma_wait3A_132 = tpu.memref_slice %arg5[%add3A_123] : memref<163840xi32, #tpu.memory_space<hbm>> -> memref<128xi32, #tpu.memory_space<hbm>>
        %dma_wait3A_133 = tpu.memref_slice %arg5[%add3A_123] : memref<163840xi32, #tpu.memory_space<hbm>> -> memref<128xi32, #tpu.memory_space<hbm>>
        tpu.wait_dma2 semaphore(%run_scoped3A : memref<!tpu.dma_semaphore, #tpu.memory_space<semaphore_mem>>) src(%dma_wait3A_133 : memref<128xi32, #tpu.memory_space<hbm>>) dst(%arg16 : memref<128xi32, #tpu.memory_space<vmem>>)
        tpu.yield
      }) : () -> ()
      %dma_wait3A_124 = arith.constant 0 : i32
      %dma_wait3A_125 = arith.constant 0 : i32
      %dma_wait3A_126 = tpu.memref_slice %arg22[%dma_wait3A_124, %dma_wait3A_125] : memref<10240x128xf32, #tpu.memory_space<vmem_shared>> -> memref<10240x128xf32, #tpu.memory_space<vmem_shared>>
      tpu.wait_indirect_dma semaphore(%arg28 : memref<!tpu.dma_semaphore, #tpu.memory_space<semaphore_mem>>) src(%arg18 : memref<128x128xf32, #tpu.memory_space<vmem>>) dst(%dma_wait3A_126 : memref<10240x128xf32, #tpu.memory_space<vmem_shared>>)
      %add3A_127 = arith.constant 384 : i32
      %add3A_128 = arith.addi %min3A, %add3A_127 : i32
      "tpu.region"() ({
        %run_scoped3A = tpu.sem_alloc : memref<!tpu.dma_semaphore, #tpu.memory_space<semaphore_mem>>
        %dma_start3A_130 = tpu.memref_slice %arg5[%add3A_128] : memref<163840xi32, #tpu.memory_space<hbm>> -> memref<128xi32, #tpu.memory_space<hbm>>
        %dma_start3A_131 = tpu.memref_slice %arg5[%add3A_128] : memref<163840xi32, #tpu.memory_space<hbm>> -> memref<128xi32, #tpu.memory_space<hbm>>
        tpu.enqueue_dma source(%dma_start3A_131 : memref<128xi32, #tpu.memory_space<hbm>>) target(%arg17 : memref<128xi32, #tpu.memory_space<vmem>>) target_semaphore(%run_scoped3A : memref<!tpu.dma_semaphore, #tpu.memory_space<semaphore_mem>>)
        %dma_wait3A_132 = tpu.memref_slice %arg5[%add3A_128] : memref<163840xi32, #tpu.memory_space<hbm>> -> memref<128xi32, #tpu.memory_space<hbm>>
        %dma_wait3A_133 = tpu.memref_slice %arg5[%add3A_128] : memref<163840xi32, #tpu.memory_space<hbm>> -> memref<128xi32, #tpu.memory_space<hbm>>
        tpu.wait_dma2 semaphore(%run_scoped3A : memref<!tpu.dma_semaphore, #tpu.memory_space<semaphore_mem>>) src(%dma_wait3A_133 : memref<128xi32, #tpu.memory_space<hbm>>) dst(%arg17 : memref<128xi32, #tpu.memory_space<vmem>>)
        tpu.yield
      }) : () -> ()
      %scan3A_129 = arith.constant 0 : i32
      scf.yield %scan3A_129 : i32
    }
    %scan3A_78 = arith.constant 10 : i32
    %barrier3A_79 = arith.constant 0 : index
    tpu.barrier barrier_id(%barrier3A_79)
    %eq3A_80 = arith.constant 0 : i32
    %eq3A_81 = arith.cmpi eq, %arg0, %eq3A_80 : i32
    %convert_element_type3A_82 = arith.extui %eq3A_81 : i1 to i32
    %cond3A_83 = arith.constant 0 : i32
    %cond3A_84 = arith.cmpi ne, %convert_element_type3A_82, %cond3A_83 : i32
    scf.if %cond3A_84 {
      %scan3A_90 = arith.constant 0 : i32
      %scan3A_91 = arith.constant 0 : i32
      %scan3A_92 = arith.constant 5 : i32
      %scan3A_93 = arith.addi %scan3A_91, %scan3A_92 : i32
      %scan3A_94 = arith.constant 1 : i32
      %scan3A_95 = scf.for %scan3A_97 = %scan3A_91 to %scan3A_93 step %scan3A_94 iter_args(%scan3A_98 = %scan3A_90) -> (i32)  : i32 {
        %mul3A_99 = arith.constant 640 : i32
        %mul3A_100 = arith.muli %arg1, %mul3A_99 : i32
        %mul3A_101 = arith.constant 128 : i32
        %mul3A_102 = arith.muli %scan3A_97, %mul3A_101 : i32
        %add3A_103 = arith.addi %mul3A_100, %mul3A_102 : i32
        "tpu.region"() ({
          %run_scoped3A = tpu.sem_alloc : memref<!tpu.dma_semaphore, #tpu.memory_space<semaphore_mem>>
          %dma_start3A = arith.constant 0 : i32
          %dma_start3A_105 = tpu.memref_slice %arg22[%add3A_103, %dma_start3A] : memref<10240x128xf32, #tpu.memory_space<vmem_shared>> -> memref<128x128xf32, #tpu.memory_space<vmem_shared>>
          %dma_start3A_106 = arith.constant 0 : i32
          %dma_start3A_107 = tpu.memref_slice %arg22[%add3A_103, %dma_start3A_106] : memref<10240x128xf32, #tpu.memory_space<vmem_shared>> -> memref<128x128xf32, #tpu.memory_space<vmem_shared>>
          tpu.enqueue_dma source(%dma_start3A_107 : memref<128x128xf32, #tpu.memory_space<vmem_shared>>) target(%arg19 : memref<128x128xf32, #tpu.memory_space<vmem>>) target_semaphore(%run_scoped3A : memref<!tpu.dma_semaphore, #tpu.memory_space<semaphore_mem>>)
          %dma_wait3A = arith.constant 0 : i32
          %dma_wait3A_108 = tpu.memref_slice %arg22[%add3A_103, %dma_wait3A] : memref<10240x128xf32, #tpu.memory_space<vmem_shared>> -> memref<128x128xf32, #tpu.memory_space<vmem_shared>>
          %dma_wait3A_109 = arith.constant 0 : i32
          %dma_wait3A_110 = tpu.memref_slice %arg22[%add3A_103, %dma_wait3A_109] : memref<10240x128xf32, #tpu.memory_space<vmem_shared>> -> memref<128x128xf32, #tpu.memory_space<vmem_shared>>
          tpu.wait_dma2 semaphore(%run_scoped3A : memref<!tpu.dma_semaphore, #tpu.memory_space<semaphore_mem>>) src(%dma_wait3A_110 : memref<128x128xf32, #tpu.memory_space<vmem_shared>>) dst(%arg19 : memref<128x128xf32, #tpu.memory_space<vmem>>)
          tpu.yield
        }) : () -> ()
        "tpu.region"() ({
          %run_scoped3A = tpu.sem_alloc : memref<!tpu.dma_semaphore, #tpu.memory_space<semaphore_mem>>
          %dma_start3A = arith.constant 0 : i32
          %dma_start3A_105 = tpu.memref_slice %arg8[%add3A_103, %dma_start3A] : memref<10240x128xf32, #tpu.memory_space<hbm>> -> memref<128x128xf32, #tpu.memory_space<hbm>>
          %dma_start3A_106 = arith.constant 0 : i32
          %dma_start3A_107 = tpu.memref_slice %arg8[%add3A_103, %dma_start3A_106] : memref<10240x128xf32, #tpu.memory_space<hbm>> -> memref<128x128xf32, #tpu.memory_space<hbm>>
          tpu.enqueue_dma source(%arg19 : memref<128x128xf32, #tpu.memory_space<vmem>>) target(%dma_start3A_107 : memref<128x128xf32, #tpu.memory_space<hbm>>) target_semaphore(%run_scoped3A : memref<!tpu.dma_semaphore, #tpu.memory_space<semaphore_mem>>)
          %dma_wait3A = arith.constant 0 : i32
          %dma_wait3A_108 = tpu.memref_slice %arg8[%add3A_103, %dma_wait3A] : memref<10240x128xf32, #tpu.memory_space<hbm>> -> memref<128x128xf32, #tpu.memory_space<hbm>>
          %dma_wait3A_109 = arith.constant 0 : i32
          %dma_wait3A_110 = tpu.memref_slice %arg8[%add3A_103, %dma_wait3A_109] : memref<10240x128xf32, #tpu.memory_space<hbm>> -> memref<128x128xf32, #tpu.memory_space<hbm>>
          tpu.wait_dma2 semaphore(%run_scoped3A : memref<!tpu.dma_semaphore, #tpu.memory_space<semaphore_mem>>) src(%arg19 : memref<128x128xf32, #tpu.memory_space<vmem>>) dst(%dma_wait3A_110 : memref<128x128xf32, #tpu.memory_space<hbm>>)
          tpu.yield
        }) : () -> ()
        %scan3A_104 = arith.constant 0 : i32
        scf.yield %scan3A_104 : i32
      }
      %scan3A_96 = arith.constant 5 : i32
    } else {
    }
    %eq3A_85 = arith.constant 1 : i32
    %eq3A_86 = arith.cmpi eq, %arg0, %eq3A_85 : i32
    %convert_element_type3A_87 = arith.extui %eq3A_86 : i1 to i32
    %cond3A_88 = arith.constant 0 : i32
    %cond3A_89 = arith.cmpi ne, %convert_element_type3A_87, %cond3A_88 : i32
    scf.if %cond3A_89 {
      %scan3A_90 = arith.constant 0 : i32
      %scan3A_91 = arith.constant 0 : i32
      %scan3A_92 = arith.constant 5 : i32
      %scan3A_93 = arith.addi %scan3A_91, %scan3A_92 : i32
      %scan3A_94 = arith.constant 1 : i32
      %scan3A_95 = scf.for %scan3A_97 = %scan3A_91 to %scan3A_93 step %scan3A_94 iter_args(%scan3A_98 = %scan3A_90) -> (i32)  : i32 {
        %mul3A_99 = arith.constant 640 : i32
        %mul3A_100 = arith.muli %arg1, %mul3A_99 : i32
        %mul3A_101 = arith.constant 128 : i32
        %mul3A_102 = arith.muli %scan3A_97, %mul3A_101 : i32
        %add3A_103 = arith.addi %mul3A_100, %mul3A_102 : i32
        "tpu.region"() ({
          %run_scoped3A = tpu.sem_alloc : memref<!tpu.dma_semaphore, #tpu.memory_space<semaphore_mem>>
          %dma_start3A = arith.constant 0 : i32
          %dma_start3A_105 = tpu.memref_slice %arg22[%add3A_103, %dma_start3A] : memref<10240x128xf32, #tpu.memory_space<vmem_shared>> -> memref<128x128xf32, #tpu.memory_space<vmem_shared>>
          %dma_start3A_106 = arith.constant 0 : i32
          %dma_start3A_107 = tpu.memref_slice %arg22[%add3A_103, %dma_start3A_106] : memref<10240x128xf32, #tpu.memory_space<vmem_shared>> -> memref<128x128xf32, #tpu.memory_space<vmem_shared>>
          tpu.enqueue_dma source(%dma_start3A_107 : memref<128x128xf32, #tpu.memory_space<vmem_shared>>) target(%arg19 : memref<128x128xf32, #tpu.memory_space<vmem>>) target_semaphore(%run_scoped3A : memref<!tpu.dma_semaphore, #tpu.memory_space<semaphore_mem>>)
          %dma_wait3A = arith.constant 0 : i32
          %dma_wait3A_108 = tpu.memref_slice %arg22[%add3A_103, %dma_wait3A] : memref<10240x128xf32, #tpu.memory_space<vmem_shared>> -> memref<128x128xf32, #tpu.memory_space<vmem_shared>>
          %dma_wait3A_109 = arith.constant 0 : i32
          %dma_wait3A_110 = tpu.memref_slice %arg22[%add3A_103, %dma_wait3A_109] : memref<10240x128xf32, #tpu.memory_space<vmem_shared>> -> memref<128x128xf32, #tpu.memory_space<vmem_shared>>
          tpu.wait_dma2 semaphore(%run_scoped3A : memref<!tpu.dma_semaphore, #tpu.memory_space<semaphore_mem>>) src(%dma_wait3A_110 : memref<128x128xf32, #tpu.memory_space<vmem_shared>>) dst(%arg19 : memref<128x128xf32, #tpu.memory_space<vmem>>)
          tpu.yield
        }) : () -> ()
        "tpu.region"() ({
          %run_scoped3A = tpu.sem_alloc : memref<!tpu.dma_semaphore, #tpu.memory_space<semaphore_mem>>
          %dma_start3A = arith.constant 0 : i32
          %dma_start3A_105 = tpu.memref_slice %arg9[%add3A_103, %dma_start3A] : memref<10240x128xf32, #tpu.memory_space<hbm>> -> memref<128x128xf32, #tpu.memory_space<hbm>>
          %dma_start3A_106 = arith.constant 0 : i32
          %dma_start3A_107 = tpu.memref_slice %arg9[%add3A_103, %dma_start3A_106] : memref<10240x128xf32, #tpu.memory_space<hbm>> -> memref<128x128xf32, #tpu.memory_space<hbm>>
          tpu.enqueue_dma source(%arg19 : memref<128x128xf32, #tpu.memory_space<vmem>>) target(%dma_start3A_107 : memref<128x128xf32, #tpu.memory_space<hbm>>) target_semaphore(%run_scoped3A : memref<!tpu.dma_semaphore, #tpu.memory_space<semaphore_mem>>)
          %dma_wait3A = arith.constant 0 : i32
          %dma_wait3A_108 = tpu.memref_slice %arg9[%add3A_103, %dma_wait3A] : memref<10240x128xf32, #tpu.memory_space<hbm>> -> memref<128x128xf32, #tpu.memory_space<hbm>>
          %dma_wait3A_109 = arith.constant 0 : i32
          %dma_wait3A_110 = tpu.memref_slice %arg9[%add3A_103, %dma_wait3A_109] : memref<10240x128xf32, #tpu.memory_space<hbm>> -> memref<128x128xf32, #tpu.memory_space<hbm>>
          tpu.wait_dma2 semaphore(%run_scoped3A : memref<!tpu.dma_semaphore, #tpu.memory_space<semaphore_mem>>) src(%arg19 : memref<128x128xf32, #tpu.memory_space<vmem>>) dst(%dma_wait3A_110 : memref<128x128xf32, #tpu.memory_space<hbm>>)
          tpu.yield
        }) : () -> ()
        %scan3A_104 = arith.constant 0 : i32
        scf.yield %scan3A_104 : i32
      }
      %scan3A_96 = arith.constant 5 : i32
    } else {
    }
    return
  }
}

module attributes {stable_mosaic.version = 14 : i64} {
  func.func @_tc_body(%arg0: i32, %arg1: memref<400x128xf32, #tpu.memory_space<vmem>>, %arg2: memref<400x128xf32, #tpu.memory_space<vmem>>, %arg3: memref<400x128xf32, #tpu.memory_space<vmem>>, %arg4: memref<400x128xf32, #tpu.memory_space<vmem>>, %arg5: memref<400x256xf32, #tpu.memory_space<vmem>>, %arg6: memref<256x512xf32, #tpu.memory_space<vmem>>, %arg7: memref<1x512xf32, #tpu.memory_space<vmem>>, %arg8: memref<256x512xf32, #tpu.memory_space<vmem>>, %arg9: memref<512x512xf32, #tpu.memory_space<vmem>>, %arg10: memref<1x512xf32, #tpu.memory_space<vmem>>, %arg11: memref<512x256xf32, #tpu.memory_space<vmem>>, %arg12: memref<1x256xf32, #tpu.memory_space<vmem>>, %arg13: memref<400x256xf32, #tpu.memory_space<vmem>>) attributes {dimension_semantics = [#tpu.dimension_semantics<parallel>], iteration_bounds = array<i64: 25>, scalar_prefetch = 0 : i64, scratch_operands = 0 : i64, tpu.core_type = #tpu.core_type<tc>, window_params = [{transform_indices = @transform_0, window_bounds = array<i64: 400, 128>}, {transform_indices = @transform_1, window_bounds = array<i64: 400, 128>}, {transform_indices = @transform_2, window_bounds = array<i64: 400, 128>}, {transform_indices = @transform_3, window_bounds = array<i64: 400, 128>}, {transform_indices = @transform_4, window_bounds = array<i64: 400, 256>}, {pipeline_mode = #tpu.pipeline_mode<synchronous>, transform_indices = @transform_5, window_bounds = array<i64: 256, 512>}, {pipeline_mode = #tpu.pipeline_mode<synchronous>, transform_indices = @transform_6, window_bounds = array<i64: 1, 512>}, {pipeline_mode = #tpu.pipeline_mode<synchronous>, transform_indices = @transform_7, window_bounds = array<i64: 256, 512>}, {pipeline_mode = #tpu.pipeline_mode<synchronous>, transform_indices = @transform_8, window_bounds = array<i64: 512, 512>}, {pipeline_mode = #tpu.pipeline_mode<synchronous>, transform_indices = @transform_9, window_bounds = array<i64: 1, 512>}, {pipeline_mode = #tpu.pipeline_mode<synchronous>, transform_indices = @transform_10, window_bounds = array<i64: 512, 256>}, {pipeline_mode = #tpu.pipeline_mode<synchronous>, transform_indices = @transform_11, window_bounds = array<i64: 1, 256>}, {transform_indices = @transform_12, window_bounds = array<i64: 400, 256>}]} {
    %get3A = arith.constant 0 : index
    %get3A_0 = arith.constant 0 : index
    %get3A_1 = vector.load %arg3[%get3A, %get3A_0] : memref<400x128xf32, #tpu.memory_space<vmem>>, vector<400x1xf32>
    %get3A_2 = arith.constant 0 : index
    %get3A_3 = arith.constant 0 : index
    %get3A_4 = vector.load %arg4[%get3A_2, %get3A_3] : memref<400x128xf32, #tpu.memory_space<vmem>>, vector<400x1xf32>
    %add3A = arith.addf %get3A_1, %get3A_4 : vector<400x1xf32>
    %max3A = arith.constant 1.000000e+00 : f32
    %max3A_5 = vector.broadcast %max3A : f32 to vector<400x1xf32>
    %max3A_6 = arith.maximumf %add3A, %max3A_5 : vector<400x1xf32>
    %div3A = arith.constant 1.000000e+00 : f32
    %div3A_7 = vector.broadcast %div3A : f32 to vector<400x1xf32>
    %div3A_8 = arith.divf %div3A_7, %max3A_6 : vector<400x1xf32>
    %get3A_9 = arith.constant 0 : index
    %get3A_10 = arith.constant 0 : index
    %get3A_11 = vector.load %arg1[%get3A_9, %get3A_10] : memref<400x128xf32, #tpu.memory_space<vmem>>, vector<400x128xf32>
    %mul3A = vector.broadcast %div3A_8 : vector<400x1xf32> to vector<400x128xf32>
    %mul3A_12 = arith.mulf %get3A_11, %mul3A : vector<400x128xf32>
    %get3A_13 = arith.constant 0 : index
    %get3A_14 = arith.constant 0 : index
    %get3A_15 = vector.load %arg2[%get3A_13, %get3A_14] : memref<400x128xf32, #tpu.memory_space<vmem>>, vector<400x128xf32>
    %mul3A_16 = vector.broadcast %div3A_8 : vector<400x1xf32> to vector<400x128xf32>
    %mul3A_17 = arith.mulf %get3A_15, %mul3A_16 : vector<400x128xf32>
    %get3A_18 = arith.constant 0 : index
    %get3A_19 = arith.constant 0 : index
    %get3A_20 = vector.load %arg6[%get3A_18, %get3A_19] : memref<256x512xf32, #tpu.memory_space<vmem>>, vector<128x512xf32>
    %dot_general3A = arith.constant dense<0.000000e+00> : vector<400x512xf32>
    %dot_general3A_21 = tpu.matmul %mul3A_12, %get3A_20, %dot_general3A {dimension_numbers = #tpu.dot_dimension_numbers<[1], [0], [0], [1], [0, 0, 1, 1], [], []>, transpose_lhs_hint = false} : vector<400x128xf32>, vector<128x512xf32>, vector<400x512xf32> -> vector<400x512xf32>
    %get3A_22 = arith.constant 128 : index
    %get3A_23 = arith.constant 0 : index
    %get3A_24 = vector.load %arg6[%get3A_22, %get3A_23] : memref<256x512xf32, #tpu.memory_space<vmem>>, vector<128x512xf32>
    %dot_general3A_25 = arith.constant dense<0.000000e+00> : vector<400x512xf32>
    %dot_general3A_26 = tpu.matmul %mul3A_17, %get3A_24, %dot_general3A_25 {dimension_numbers = #tpu.dot_dimension_numbers<[1], [0], [0], [1], [0, 0, 1, 1], [], []>, transpose_lhs_hint = false} : vector<400x128xf32>, vector<128x512xf32>, vector<400x512xf32> -> vector<400x512xf32>
    %add3A_27 = arith.addf %dot_general3A_21, %dot_general3A_26 : vector<400x512xf32>
    %get3A_28 = arith.constant 0 : index
    %get3A_29 = arith.constant 0 : index
    %get3A_30 = vector.load %arg5[%get3A_28, %get3A_29] : memref<400x256xf32, #tpu.memory_space<vmem>>, vector<400x256xf32>
    %get3A_31 = arith.constant 0 : index
    %get3A_32 = arith.constant 0 : index
    %get3A_33 = vector.load %arg8[%get3A_31, %get3A_32] : memref<256x512xf32, #tpu.memory_space<vmem>>, vector<256x512xf32>
    %dot_general3A_34 = arith.constant dense<0.000000e+00> : vector<400x512xf32>
    %dot_general3A_35 = tpu.matmul %get3A_30, %get3A_33, %dot_general3A_34 {dimension_numbers = #tpu.dot_dimension_numbers<[1], [0], [0], [1], [0, 0, 1, 1], [], []>, transpose_lhs_hint = false} : vector<400x256xf32>, vector<256x512xf32>, vector<400x512xf32> -> vector<400x512xf32>
    %add3A_36 = arith.addf %add3A_27, %dot_general3A_35 : vector<400x512xf32>
    %get3A_37 = arith.constant 0 : index
    %get3A_38 = arith.constant 0 : index
    %get3A_39 = vector.load %arg7[%get3A_37, %get3A_38] : memref<1x512xf32, #tpu.memory_space<vmem>>, vector<1x512xf32>
    %add3A_40 = vector.broadcast %get3A_39 : vector<1x512xf32> to vector<400x512xf32>
    %add3A_41 = arith.addf %add3A_36, %add3A_40 : vector<400x512xf32>
    %get3A_42 = arith.constant 0 : index
    %get3A_43 = arith.constant 0 : index
    %get3A_44 = vector.load %arg9[%get3A_42, %get3A_43] : memref<512x512xf32, #tpu.memory_space<vmem>>, vector<512x512xf32>
    %dot_general3A_45 = arith.constant dense<0.000000e+00> : vector<400x512xf32>
    %dot_general3A_46 = tpu.matmul %add3A_41, %get3A_44, %dot_general3A_45 {dimension_numbers = #tpu.dot_dimension_numbers<[1], [0], [0], [1], [0, 0, 1, 1], [], []>, transpose_lhs_hint = false} : vector<400x512xf32>, vector<512x512xf32>, vector<400x512xf32> -> vector<400x512xf32>
    %get3A_47 = arith.constant 0 : index
    %get3A_48 = arith.constant 0 : index
    %get3A_49 = vector.load %arg10[%get3A_47, %get3A_48] : memref<1x512xf32, #tpu.memory_space<vmem>>, vector<1x512xf32>
    %add3A_50 = vector.broadcast %get3A_49 : vector<1x512xf32> to vector<400x512xf32>
    %add3A_51 = arith.addf %dot_general3A_46, %add3A_50 : vector<400x512xf32>
    %max3A_52 = arith.constant 0.000000e+00 : f32
    %max3A_53 = vector.broadcast %max3A_52 : f32 to vector<400x512xf32>
    %max3A_54 = arith.maximumf %add3A_51, %max3A_53 : vector<400x512xf32>
    %get3A_55 = arith.constant 0 : index
    %get3A_56 = arith.constant 0 : index
    %get3A_57 = vector.load %arg11[%get3A_55, %get3A_56] : memref<512x256xf32, #tpu.memory_space<vmem>>, vector<512x256xf32>
    %dot_general3A_58 = arith.constant dense<0.000000e+00> : vector<400x256xf32>
    %dot_general3A_59 = tpu.matmul %max3A_54, %get3A_57, %dot_general3A_58 {dimension_numbers = #tpu.dot_dimension_numbers<[1], [0], [0], [1], [0, 0, 1, 1], [], []>, transpose_lhs_hint = false} : vector<400x512xf32>, vector<512x256xf32>, vector<400x256xf32> -> vector<400x256xf32>
    %get3A_60 = arith.constant 0 : index
    %get3A_61 = arith.constant 0 : index
    %get3A_62 = vector.load %arg12[%get3A_60, %get3A_61] : memref<1x256xf32, #tpu.memory_space<vmem>>, vector<1x256xf32>
    %add3A_63 = vector.broadcast %get3A_62 : vector<1x256xf32> to vector<400x256xf32>
    %add3A_64 = arith.addf %dot_general3A_59, %add3A_63 : vector<400x256xf32>
    %swap3A = arith.constant 0 : index
    %swap3A_65 = arith.constant 0 : index
    %swap3A_66 = vector.load %arg13[%swap3A, %swap3A_65] : memref<400x256xf32, #tpu.memory_space<vmem>>, vector<400x256xf32>
    tpu.vector_store %arg13[%swap3A, %swap3A_65], %add3A_64 {strides = array<i32>} : memref<400x256xf32, #tpu.memory_space<vmem>>, vector<400x256xf32>,
    return
  }
  func.func @transform_0(%arg0: i32) -> (i32, i32) {
    %c0_i32 = arith.constant 0 : i32
    %c0_i32_0 = arith.constant 0 : i32
    return %arg0, %c0_i32 : i32, i32
  }
  func.func @transform_1(%arg0: i32) -> (i32, i32) {
    %c0_i32 = arith.constant 0 : i32
    %c0_i32_0 = arith.constant 0 : i32
    return %arg0, %c0_i32 : i32, i32
  }
  func.func @transform_2(%arg0: i32) -> (i32, i32) {
    %c0_i32 = arith.constant 0 : i32
    %c0_i32_0 = arith.constant 0 : i32
    return %arg0, %c0_i32 : i32, i32
  }
  func.func @transform_3(%arg0: i32) -> (i32, i32) {
    %c0_i32 = arith.constant 0 : i32
    %c0_i32_0 = arith.constant 0 : i32
    return %arg0, %c0_i32 : i32, i32
  }
  func.func @transform_4(%arg0: i32) -> (i32, i32) {
    %c0_i32 = arith.constant 0 : i32
    %c0_i32_0 = arith.constant 0 : i32
    return %arg0, %c0_i32 : i32, i32
  }
  func.func @transform_5(%arg0: i32) -> (i32, i32) {
    %c0_i32 = arith.constant 0 : i32
    %c0_i32_0 = arith.constant 0 : i32
    %c0_i32_1 = arith.constant 0 : i32
    return %c0_i32, %c0_i32_0 : i32, i32
  }
  func.func @transform_6(%arg0: i32) -> (i32, i32) {
    %c0_i32 = arith.constant 0 : i32
    %c0_i32_0 = arith.constant 0 : i32
    %c0_i32_1 = arith.constant 0 : i32
    return %c0_i32, %c0_i32_0 : i32, i32
  }
  func.func @transform_7(%arg0: i32) -> (i32, i32) {
    %c0_i32 = arith.constant 0 : i32
    %c0_i32_0 = arith.constant 0 : i32
    %c0_i32_1 = arith.constant 0 : i32
    return %c0_i32, %c0_i32_0 : i32, i32
  }
  func.func @transform_8(%arg0: i32) -> (i32, i32) {
    %c0_i32 = arith.constant 0 : i32
    %c0_i32_0 = arith.constant 0 : i32
    %c0_i32_1 = arith.constant 0 : i32
    return %c0_i32, %c0_i32_0 : i32, i32
  }
  func.func @transform_9(%arg0: i32) -> (i32, i32) {
    %c0_i32 = arith.constant 0 : i32
    %c0_i32_0 = arith.constant 0 : i32
    %c0_i32_1 = arith.constant 0 : i32
    return %c0_i32, %c0_i32_0 : i32, i32
  }
  func.func @transform_10(%arg0: i32) -> (i32, i32) {
    %c0_i32 = arith.constant 0 : i32
    %c0_i32_0 = arith.constant 0 : i32
    %c0_i32_1 = arith.constant 0 : i32
    return %c0_i32, %c0_i32_0 : i32, i32
  }
  func.func @transform_11(%arg0: i32) -> (i32, i32) {
    %c0_i32 = arith.constant 0 : i32
    %c0_i32_0 = arith.constant 0 : i32
    %c0_i32_1 = arith.constant 0 : i32
    return %c0_i32, %c0_i32_0 : i32, i32
  }
  func.func @transform_12(%arg0: i32) -> (i32, i32) {
    %c0_i32 = arith.constant 0 : i32
    %c0_i32_0 = arith.constant 0 : i32
    return %arg0, %c0_i32 : i32, i32
  }
}

</mosaic_0001>

<sc_bundles>
// kernel: kernel.4.cloned.1.call-start
scs
__scs_entry_jumppad:
0x0: {  	(pc) =	sbr.rel $0x88, $3  }
0x1: {  	(tag) =	ssettag $0x0;
	lr =	simm.s32 $0x1  }
0x2: {  	[smem:$0x3F98] =	sst lr;
	_ =	strace $0xD0000000  }
0x3: {  	_ = 	snop  }
0x4: {  	_ = 	snop  }
0x5: {  	_ = 	snop  }
0x6: {  	_ = 	snop  }
0x7: {  	_ = 	snop  }
__scs_overlays_trampoline_lowered:
0x8: {  	[smem:$0x3FA7] =	sst s0  }
0x9: {  	[smem:$0x3FA8] =	sst s1  }
0xa: {  	[smem:$0x3FA9] =	sst s2  }
0xb: {  	[smem:$0x3FAA] =	sst s3  }
0xc: {  	[smem:$0x3FAB] =	sst s4  }
0xd: {  	[smem:$0x3FAC] =	sst s5  }
0xe: {  	[smem:$0x3FAD] =	sst s6  }
0xf: {  	[smem:$0x3FAE] =	sst s7  }
0x10: {  	[smem:$0x3FAF] =	sst s8  }
0x11: {  	[smem:$0x3FB0] =	sst s9;
	s0 =	simm.s32 @!p0 $0x0  }
0x12: {  	s1 =	sld [smem:$0x3F96];
	s0 =	simm.s32 @p0 $0x1  }
0x13: {  	[smem:$0x3FB1] =	sst s0;
	s0 =	simm.s32 @!p1 $0x0  }
0x14: {  	s2 =	sld [smem:$0x3F95];
	s0 =	simm.s32 @p1 $0x1  }
0x15: {  	[smem:$0x3FB2] =	sst s0;
	s0 =	simm.s32 @!p2 $0x0  }
0x16: {  	s3 =	sld [smem:$0x3FDB];
	s0 =	simm.s32 @p2 $0x1  }
0x17: {  	s4 =	simm.s32 $0x1BF5;
	[smem:$0x3FB4] =	sst s0  }
0x18: {  	s0 =	sld [smem:$0x3F97];
	_ =	swait.ge [sflag:s4], $0x0  }
0x19: {  	s7 =	sld [smem:$0x3F98]  }
0x1a: {  	s8 =	sadd.s32 $0xFFFFE003, lr  }
0x1b: {  	s9 =	sadd.s32 $0xFFFFFEF7, lr;
	s5 =	simm.s32 $0xFFFFFFFF;
	p2 =	slt.u32 s8, $0xFFFFF086  }
0x1c: {  	p1 =	slt.u32 s9, $0xF7A;
	s5 =	simm.s32 @!p2 $0x0  }
0x1d: {  	s5 =	simm.s32 @p1 $0x1;
	p0 =	seq.s32 s7, s2  }
0x1e: {  	s7 =	smul.u32 @!p0 $0xF7A, s2;
	p2 =	seq.s32 @!p0 s5, $0x0  }
0x1f: {  	s9 =	smul.u32 $0xF7A, s1;
	s8 =	simm.s32 @!p0 $0x1BF5;
	p2 =	por !p2, p0  }
0x20: {  	[sflag:s8] =	ssyncset.s32 @!p0 $0xFFFFF086;
	s6 =	sadd.s32 @!p0 s3, s7;
	s7 =	simm.s32 @!p0 $0x108  }
0x21: {  	s3 =	sadd.s32 s3, s9;
	s6 =	sadd.s32 @!p0 $0x88, s6;
	s7 =	simm.s32 @p2 $0x1082  }
0x22: {  	[simem:s7], [sflag:s8] =	dma.local @!p0 [hbm:s6], $0xF7A  }
0x23: {  	s9 =	sor.u32 $0xD0000000, s2;
	s6 =	simm.s32 $0x108;
	_ =	swait.ge @!p0 [sflag:s8], $0x0  }
0x24: {  	s3 =	sadd.s32 $0x88, s3;
	s6 =	simm.s32 @!p1 $0x1082;
	[sflag:s4] =	ssyncset.s32 $0xFFFFF086  }
0x25: {  	[simem:s6], [sflag:s4] =	dma.local [hbm:s3], $0xF7A  }
0x26: {  	[smem:$0x3F98] =	sst s1;
	(tag) =	ssettag s2;
	_ =	strace s9  }
0x27: {  	s1 =	sld [smem:$0x3FA8]  }
0x28: {  	s2 =	sld [smem:$0x3FA9]  }
0x29: {  	s4 =	sld [smem:$0x3FAB]  }
0x2a: {  	p0 =	seq.s32 s5, $0x0;
	s5 =	sld [smem:$0x3FAC]  }
0x2b: {  	s6 =	sld [smem:$0x3FAD]  }
0x2c: {  	s7 =	sld [smem:$0x3FAE]  }
0x2d: {  	s3 =	simm.s32 $0x108;
	s8 =	sld [smem:$0x3FAF]  }
0x2e: {  	s3 =	simm.s32 @!p0 $0x1082;
	s9 =	sld [smem:$0x3FB0]  }
0x2f: {  	lr =	sadd.s32 s0, s3;
	s0 =	sld [smem:$0x3FA7]  }
0x30: {  	s3 =	sld [smem:$0x3FAA]  }
0x31: {  	[smem:$0x3FB3] =	sst s10  }
0x32: {  	s10 =	sld [smem:$0x3FB1];
	_ =	sdelay $0x3  }
0x33: {  	p0 =	seq.s32 s10, $0x1;
	s10 =	sld [smem:$0x3FB3];
	_ =	sdelay $0x3  }
0x34: {  	[smem:$0x3FB3] =	sst s10  }
0x35: {  	s10 =	sld [smem:$0x3FB2];
	_ =	sdelay $0x3  }
0x36: {  	p1 =	seq.s32 s10, $0x1;
	s10 =	sld [smem:$0x3FB3];
	_ =	sdelay $0x3  }
0x37: {  	[smem:$0x3FB3] =	sst s10  }
0x38: {  	s10 =	sld [smem:$0x3FB4]  }
0x39: {  	_ = 	snop;
	(pc) =	sbr.ind lr, $3  }
0x3a: {  	_ = 	snop  }
0x3b: {  	_ = 	snop  }
0x3c: {  	p2 =	seq.s32 s10, $0x1;
	s10 =	sld [smem:$0x3FB3]  }
0x3d: {  	_ =	shalt  }
0x3e: {  	_ =	shalt  }
0x3f: {  	_ =	shalt  }
0x40: {  	_ =	shalt  }
0x41: {  	_ =	shalt  }
0x42: {  	_ =	shalt  }
0x43: {  	_ =	shalt  }
0x44: {  	_ =	shalt  }
0x45: {  	_ =	shalt  }
0x46: {  	_ =	shalt  }
0x47: {  	_ =	shalt  }
0x48: {  	_ =	shalt  }
0x49: {  	_ =	shalt  }
0x4a: {  	_ =	shalt  }
0x4b: {  	_ =	shalt  }
0x4c: {  	_ =	shalt  }
0x4d: {  	_ =	shalt  }
0x4e: {  	_ =	shalt  }
0x4f: {  	_ =	shalt  }
0x50: {  	_ =	shalt  }
0x51: {  	_ =	shalt  }
0x52: {  	_ =	shalt  }
0x53: {  	_ =	shalt  }
0x54: {  	_ =	shalt  }
0x55: {  	_ =	shalt  }
0x56: {  	_ =	shalt  }
0x57: {  	_ =	shalt  }
0x58: {  	_ =	shalt  }
0x59: {  	_ =	shalt  }
0x5a: {  	_ =	shalt  }
0x5b: {  	_ =	shalt  }
0x5c: {  	_ =	shalt  }
0x5d: {  	_ =	shalt  }
0x5e: {  	_ =	shalt  }
0x5f: {  	_ =	shalt  }
0x60: {  	_ =	shalt  }
0x61: {  	_ =	shalt  }
0x62: {  	_ =	shalt  }
0x63: {  	_ =	shalt  }
0x64: {  	_ =	shalt  }
0x65: {  	_ =	shalt  }
0x66: {  	_ =	shalt  }
0x67: {  	_ =	shalt  }
0x68: {  	_ =	shalt  }
0x69: {  	_ =	shalt  }
0x6a: {  	_ =	shalt  }
0x6b: {  	_ =	shalt  }
0x6c: {  	_ =	shalt  }
0x6d: {  	_ =	shalt  }
0x6e: {  	_ =	shalt  }
0x6f: {  	_ =	shalt  }
0x70: {  	_ =	shalt  }
0x71: {  	_ =	shalt  }
0x72: {  	_ =	shalt  }
0x73: {  	_ =	shalt  }
0x74: {  	_ =	shalt  }
0x75: {  	_ =	shalt  }
0x76: {  	_ =	shalt  }
0x77: {  	_ =	shalt  }
0x78: {  	_ =	shalt  }
0x79: {  	_ =	shalt  }
0x7a: {  	_ =	shalt  }
0x7b: {  	_ =	shalt  }
0x7c: {  	_ =	shalt  }
0x7d: {  	_ =	shalt  }
0x7e: {  	_ =	shalt  }
0x7f: {  	_ =	shalt  }
0x80: {  	_ =	shalt  }
0x81: {  	_ =	shalt  }
0x82: {  	_ =	shalt  }
0x83: {  	_ =	shalt  }
0x84: {  	_ =	shalt  }
0x85: {  	_ =	shalt  }
0x86: {  	_ =	shalt  }
0x87: {  	_ =	shalt  }
.Lfunc_end0:
.L_simem_size_0:
called_computation_lowered:
.L_overlay_start_0:
0x88: {  	s2 =	sld [smem:$0x3FD9]  }
0x89: {  	s3 =	sld [smem:$0x3FFE];
	_ =	sdelay $0x1  }
0x8a: {  	s1 =	srdreg.scid  }
0x8b: {  	s0 =	sand.u32 $0x1, s1  }
0x8c: {  	s17 =	sshll.u32 s0, $0xA;
	s2 =	sadd.s32 s3, s2  }
0x8d: {  	s2 =	sadd.s32 s2, s17  }
0x8e: {  	[smem:$0x3FBF] =	sst s2  }
0x8f: {  	_ = 	snop  }
0x90: {  	s2 =	sld [smem:$0x3FD0];
	(tm) =	ssettm $0x1  }
0x91: {  	s18 =	sld [smem:$0x3FFB];
	_ =	sdelay $0x3  }
0x92: {  	_ =	strace s18  }
0x93: {  	s3 =	sld [smem:$0x3FFC];
	_ =	sdelay $0x3  }
0x94: {  	_ =	strace s3  }
0x95: {  	s3 =	sld [smem:$0x3FFD];
	_ =	sdelay $0x3  }
0x96: {  	_ =	strace s3  }
0x97: {  	_ =	strace $0x8FFFFFFF  }
0x98: {  	s19 =	sld [smem:$0x3FDB];
	_ =	sdelay $0x1  }
0x99: {  	s4 =	simm.s32 $_scs_section_size  }
0x9a: {  	s5 =	simm.s32 $_size__tile_overlayer_lowered;
	s6 =	simm.s32 $_tile_overlayer_lowered  }
0x9b: {  	s22 =	simm.s32 $0x1BFF;
	s21 =	sshll.u32 s6, $0x1;
	s3 =	sadd.s32 s4, s19  }
0x9c: {  	s7 =	simm.s32 $0x0;
	s20 =	sshll.u32 s5, $0x1;
	s5 =	sadd.s32 s21, s3  }
0x9d: {  	[timem:s7], [sflag:s22] =	dma.local [hbm:s5], s20  }
0x9e: {  	_ =	swait.ge [sflag:s22], s20  }
0x9f: {  	s4 =	ssub.s32 $0x0, s20;
	[sflag:s22] =	ssyncset.done $0x0  }
0xa0: {  	[sflag:s22] =	ssyncadd.s32 s4;
	_ =	sdelay $0x1  }
0xa1: {  	s23 =	simm.s32 $0x1B8B  }
0xa2: {  	_ =	swait.ge [sflag:s23], $0x1  }
0xa3: {  	[sflag:s23] =	ssyncset.done $0x0  }
0xa4: {  	s25 =	simm.s32 $0x1B8E;
	s24 =	sld [smem:$0x3FFE];
	[sflag:s23] =	ssyncadd.s32 $0xFFFFFFFF  }
0xa5: {  	s26 =	simm.s32 $execute0_lowered;
	[smem:$0x3FD2] =	sst s25  }
0xa6: {  	s5 =	sshll.u32 s26, $0x1;
	_ =	strace $0x80000046;
	[dreg:$0x1] =	wrdreg $0xFFFFFFFF  }
0xa7: {  	s28 =	simm.s32 $_size_execute0_lowered;
	s3 =	sadd.s32 s3, s5;
	[dreg:$0x0] =	wrdreg $0x0  }
0xa8: {  	s5 =	sshll.u32 s28, $0x1;
	[dreg:$0x2] =	wrdreg s3  }
0xa9: {  	[dreg:$0x3] =	wrdreg s5  }
0xaa: {  	[dreg:$0x4] =	wrdreg $0xC0  }
0xab: {  	_ =	task [dreg:s7], $0x5FFFF  }
0xac: {  	[dreg:$0x1] =	wrdreg $0xFFFFFFFF  }
0xad: {  	[dreg:$0x0] =	wrdreg $0x60  }
0xae: {  	[dreg:$0x2] =	wrdreg s24  }
0xaf: {  	[dreg:$0x3] =	wrdreg s2  }
0xb0: {  	[dreg:$0x4] =	wrdreg $0x83000  }
0xb1: {  	[dreg:$0x5] =	wrdreg $0x9  }
0xb2: {  	_ =	task.clear_ibuf [dreg:s7], $0x6FFFF;
	_ =	strace $0x90000046  }
0xb3: {  	s29 =	simm.s32 $0x9;
	_ =	strace $0x80000048  }
0xb4: {  	_ =	swait.ge [sflag:s29], $0x1  }
0xb5: {  	[sflag:s29] =	ssyncadd.s32 $0xFFFFFFFF  }
0xb6: {  	_ =	strace $0x90000048  }
0xb7: {  	_ =	sfence  }
0xb8: {  	s30 =	sld [smem:$0x0];
	_ =	sdelay $0x2  }
0xb9: {  	s31 =	sshll.u32 s1, $0xD;
	s1 =	sshrl.u32 s1, $0x2  }
0xba: {  	s3 =	sand.u32 $0x4000, s31;
	s1 =	sadd.s32 s1, s30  }
0xbb: {  	s0 =	sor.u32 s3, s0;
	s1 =	sshll.u32 s1, $0x11  }
0xbc: {  	s0 =	sor.u32 s1, s0  }
0xbd: {  	s0 =	sadd.s32 $0x8F2B, s0  }
0xbe: {  	[sflag:s0] =	ssyncadd.remote.s32 $0x1  }
0xbf: {  	_ =	sfence.sel $0xFFFF  }
0xc0: {  	[dreg:$0x0] =	wrdreg $0xFFFFFFFF;
	(pc) =	sbr.abs _section_cstart, $3  }
0xc1: {  	[dreg:$0x1] =	wrdreg $0xFFFFFFFF  }
0xc2: {  	_ =	task.clear_ibuf [dreg:s7], $0x2FFFF;
	_ =	strace $0x9FFFFFFF  }
0xc3: {  	(tm) =	ssettm $0x7FFFFFFF  }
tec
execute0_lowered:
.L_overlay_start_1:
0x0: {  	(tag) =	ssettag $0x1  }
0x1: {  	s0 =	rddreg [dreg:$0x0]  }
0x2: {  	s2 =	rddreg [dreg:$0x2];
	s3 =	simm.s32 $0x0;
	s1 =	srdreg.scid  }
0x3: {  	s13 =	stileid.u32;
	[smem:$0x7FF] =	sst s3;
	s5 =	sadd.s32 $0x28800, s0  }
0x4: {  	s6 =	sadd.s32 $0x1600, s0;
	s7 =	sadd.s32 $0x54A00, s0;
	s9 =	smul.u32 $0x50000, s13  }
0x5: {  	s1 =	sand.u32 $0x1, s1;
	s8 =	sadd.s32 $0x4FA00, s0;
	s14 =	smul.u32 $0x2800, s13  }
0x6: {  	s10 =	sadd.s32 $0x59A00, s0;
	s21 =	smul.u32 $0x280, s13;
	_ =	strace $0x80000047  }
0x7: {  	s4 =	ssub.s32 $0x2, s1;
	[dreg:$0x4] =	wrdreg s10;
	s17 =	sshll.u32 s1, $0x4  }
0x8: {  	p0 =	seq.s32 s1, $0x0;
	s16 =	sshrl.u32 s4, $0x1;
	s9 =	sshrl.u32 s9, $0x2  }
0x9: {  	s18 =	sshrl.u32 s14, $0x3;
	s10 =	sor.u32 s13, s17;
	s17 =	sadd.s32 $0x4FA10, s0  }
0xa: {  	s13 =	simm.s32 $0x81A00;
	s11 =	sadd.s32 $0x200, s21;
	[dreg:$0x5] =	wrdreg s14  }
0xb: {  	s4 =	ssub.s32 s4, s16;
	s16 =	sadd.s32 s9, s2;
	s12 =	sor.u32 $0x10, s18  }
0xc: {  	s10 =	smul.u32 $0x1400, s10;
	s15 =	sadd.s32 s7, s18;
	s9 =	sadd.s32 s8, s18  }
0xd: {  	s13 =	simm.s32 @!p0 $0xA9A00;
	p0 =	sne.s32 s1, $0x0;
	[dreg:$0x6] =	wrdreg s15  }
0xe: {  	[dreg:$0x7] =	wrdreg s9;
	s19 =	sadd.s32 s7, s12;
	s20 =	sadd.s32 s8, s12  }
0xf: {  	s1 =	sadd.s32 s13, s0;
	s12 =	sadd.s32 $0x80, s21;
	[dreg:$0x8] =	wrdreg s19  }
0x10: {  	s9 =	sadd.s32 $0x100, s21;
	[dreg:$0x9] =	wrdreg s20;
	s15 =	sshll.u32 s12, $0x4  }
0x11: {  	s22 =	sshrl.u32 s10, $0x3;
	s18 =	sshll.u32 s9, $0x4;
	[dreg:$0xf] =	wrdreg s15  }
0x12: {  	s13 =	sadd.s32 $0x180, s21;
	s23 =	sadd.s32 s8, s22;
	[dreg:$0x10] =	wrdreg s18  }
0x13: {  	s19 =	sadd.s32 $0x4FA20, s0;
	s24 =	sadd.s32 s22, s17;
	[dreg:$0xa] =	wrdreg s23  }
0x14: {  	s20 =	sadd.s32 $0x4FA30, s0;
	s25 =	sadd.s32 s22, s19;
	[dreg:$0xb] =	wrdreg s24  }
0x15: {  	s9 =	sshll.u32 s9, $0x7;
	s26 =	sadd.s32 s22, s20;
	[dreg:$0xc] =	wrdreg s25  }
0x16: {  	s0 =	sshll.u32 s11, $0x7;
	s21 =	sadd.s32 s9, s2;
	[dreg:$0xd] =	wrdreg s26  }
0x17: {  	s0 =	sadd.s32 s0, s2;
	s23 =	sor.u32 $0x200, s10;
	[dreg:$0x12] =	wrdreg s21  }
0x18: {  	s10 =	smax.u32 s4, $0x1;
	s4 =	sshll.u32 s12, $0x7;
	[dreg:$0x16] =	wrdreg s0  }
0x19: {  	s26 =	sshll.u32 s11, $0x4;
	s11 =	sadd.s32 s1, s14;
	[dreg:$0xe] =	wrdreg s10  }
0x1a: {  	s24 =	sshll.u32 s13, $0x4;
	s12 =	sadd.s32 s1, s15;
	[dreg:$0x17] =	wrdreg s11  }
0x1b: {  	s25 =	sshll.u32 s13, $0x7;
	s13 =	sadd.s32 s1, s18;
	[dreg:$0x18] =	wrdreg s12  }
0x1c: {  	s30 =	simm.s32 $0x1;
	s31 =	simm.s32 $0x2;
	[dreg:$0x19] =	wrdreg s13  }
0x1d: {  	s28 =	simm.s32 $0x4;
	s29 =	simm.s32 $0x200;
	[dreg:$0x13] =	wrdreg s24  }
0x1e: {  	s9 =	simm.s32 $0x100;
	s21 =	sadd.s32 $0x4000, s16;
	[dreg:$0x14] =	wrdreg s26  }
0x1f: {  	s22 =	sadd.s32 s4, s2;
	s4 =	sadd.s32 s25, s2;
	[dreg:$0x1c] =	wrdreg s21  }
0x20: {  	s0 =	simm.s32 $0x280;
	s15 =	sadd.s32 s1, s24;
	[dreg:$0x15] =	wrdreg s4  }
0x21: {  	s18 =	sadd.s32 s1, s26;
	s24 =	sadd.s32 $0x8000, s16;
	[dreg:$0x1a] =	wrdreg s15  }
0x22: {  	s25 =	sadd.s32 $0xC000, s16;
	s11 =	smov.u32 s16;
	[dreg:$0x1b] =	wrdreg s18  }
0x23: {  	s26 =	sadd.s32 $0x10000, s16;
	s1 =	simm.s32 $0x7;
	[dreg:$0x1d] =	wrdreg s24  }
0x24: {  	s12 =	simm.s32 $0x80;
	s13 =	simm.s32 $0x180;
	[dreg:$0x1e] =	wrdreg s25  }
0x25: {  	s10 =	simm.s32 $0x3;
	s15 =	sor.u32 $0x100, s14;
	[dreg:$0x1f] =	wrdreg s26  }
0x26: {  	s24 =	simm.s32 $0x300;
	s14 =	simm.s32 $0x5;
	s25 =	simm.s32 $0x6  }
0x27: {  	v0 =	vimm.f32 $0.0e+00;
	v1 =	vimm.f32 $1.000000000e+00;
	s26 =	simm.s32 $0x4300;
	s4 =	simm.s32 $0x0;
	[dreg:$0x11] =	wrdreg s22  }
.LBB2_1:
0x28: {  	s16 =	simm.s32 $0x0;
	s18 =	simm.s32 $0x200  }
.LBB2_2:
0x29: {  	p1 =	sne.s32 s18, $0xFE00;
	[tilespmem:s16+$0x370] =	vst v0  }
0x2a: {  	[tilespmem:s16+$0x300] =	vst v0  }
0x2b: {  	[tilespmem:s16+$0x310] =	vst v0  }
.Ltmp0:
0x2c: {  	[tilespmem:s16+$0x320] =	vst v0;
	(pc) =	sbr.rel @p1 .LBB2_2-.Ltmp0, $4  }
0x2d: {  	[tilespmem:s16+$0x330] =	vst v0  }
0x2e: {  	[tilespmem:s16+$0x340] =	vst v0  }
0x2f: {  	[tilespmem:s16+$0x350] =	vst v0  }
0x30: {  	[tilespmem:s16+$0x360] =	vst v0;
	s16 =	sshra.s32 s18, $0x2;
	s18 =	sadd.s32 $0x200, s18  }
0x31: {  	[tilespmem:s16+$0x370] =	vst v0  }
0x32: {  	[tilespmem:s16+$0x300] =	vst v0  }
0x33: {  	[tilespmem:s16+$0x310] =	vst v0  }
0x34: {  	[tilespmem:s16+$0x320] =	vst v0  }
0x35: {  	[tilespmem:s16+$0x330] =	vst v0  }
0x36: {  	[tilespmem:s16+$0x340] =	vst v0  }
0x37: {  	[tilespmem:s16+$0x350] =	vst v0  }
0x38: {  	[tilespmem:s16+$0x360] =	vst v0  }
0x39: {  	[spmem:s11] =	stream.linear.scatter [tilespmem:s24], [sflag:$0x7], $0x4000, $0x38;
	[tilespmem:$0x1C300] =	vst v63  }
0x3a: {  	_ =	swait.ge [sflag:s1], $0x4000  }
0x3b: {  	[sflag:s1] =	ssyncset.done $0x0  }
0x3c: {  	s21 =	rddreg [dreg:$0x1c];
	[sflag:s1] =	ssyncadd.s32 $0xFFFFC000  }
0x3d: {  	[spmem:s21] =	stream.linear.scatter [tilespmem:s24], [sflag:$0x7], $0x4000, $0x38;
	[tilespmem:$0x1C300] =	vst v63  }
0x3e: {  	_ =	swait.ge [sflag:s1], $0x4000  }
0x3f: {  	[sflag:s1] =	ssyncset.done $0x0  }
0x40: {  	s22 =	rddreg [dreg:$0x1d];
	[sflag:s1] =	ssyncadd.s32 $0xFFFFC000  }
0x41: {  	[spmem:s22] =	stream.linear.scatter [tilespmem:s24], [sflag:$0x7], $0x4000, $0x38;
	[tilespmem:$0x1C300] =	vst v63  }
0x42: {  	_ =	swait.ge [sflag:s1], $0x4000  }
0x43: {  	[sflag:s1] =	ssyncset.done $0x0  }
0x44: {  	s18 =	rddreg [dreg:$0x1e];
	[sflag:s1] =	ssyncadd.s32 $0xFFFFC000  }
0x45: {  	[spmem:s18] =	stream.linear.scatter [tilespmem:s24], [sflag:$0x7], $0x4000, $0x38;
	[tilespmem:$0x1C300] =	vst v63  }
0x46: {  	_ =	swait.ge [sflag:s1], $0x4000  }
0x47: {  	[sflag:s1] =	ssyncset.done $0x0  }
0x48: {  	s21 =	rddreg [dreg:$0x1f];
	[sflag:s1] =	ssyncadd.s32 $0xFFFFC000  }
0x49: {  	[spmem:s21] =	stream.linear.scatter [tilespmem:s24], [sflag:$0x7], $0x4000, $0x38;
	[tilespmem:$0x1C300] =	vst v63  }
0x4a: {  	_ =	swait.ge [sflag:s1], $0x4000  }
0x4b: {  	[sflag:s1] =	ssyncset.done $0x0  }
0x4c: {  	[sflag:s1] =	ssyncadd.s32 $0xFFFFC000  }
0x4d: {  	[bflag:$0x0] =	sbarrier.arrive $0xFFFF  }
0x4e: {  	s22 =	rddreg [dreg:$0x6]  }
0x4f: {  	[tilespmem:s3], [sflag:$0x5] =	stream.linear.gather [hbm4b:s22+s3], $0x80, $0x38;
	[tilespmem:$0x1C300] =	vst v63  }
0x50: {  	s18 =	rddreg [dreg:$0x7]  }
0x51: {  	[tilespmem:s9], [sflag:$0x5] =	stream.linear.gather [hbm4b:s18+s3], $0x80, $0x38;
	[tilespmem:$0x1C300] =	vst v63  }
0x52: {  	s21 =	rddreg [dreg:$0x8]  }
0x53: {  	[tilespmem:s12], [sflag:$0x6] =	stream.linear.gather [hbm4b:s21+s3], $0x80, $0x38;
	[tilespmem:$0x1C300] =	vst v63  }
0x54: {  	s22 =	rddreg [dreg:$0x9]  }
0x55: {  	[tilespmem:s13], [sflag:$0x6] =	stream.linear.gather [hbm4b:s22+s3], $0x80, $0x38;
	[tilespmem:$0x1C300] =	vst v63  }
0x56: {  	_ =	swait.ge [sflag:s14], $0x80  }
.Ltmp1:
0x57: {  	[sflag:s14] =	ssyncset.done $0x0;
	(pc) =	sbr.rel @p0 .LBB2_7-.Ltmp1, $4  }
0x58: {  	[sflag:s14] =	ssyncadd.s32 $0xFFFFFF80  }
0x59: {  	_ =	swait.ge [sflag:s14], $0x80  }
0x5a: {  	[sflag:s14] =	ssyncset.done $0x0  }
0x5b: {  	s16 =	simm.s32 $0x0;
	[sflag:s14] =	ssyncadd.s32 $0xFFFFFF80  }
0x5c: {  	[tilespmem:s24], [sflag:$0x1] =	stream.indirect.gather [hbm4b:s5+s12], $0x80, s16, s12, $0xb8;
	[tilespmem:$0x1C300] =	vst v63  }
0x5d: {  	_ =	swait.ge [sflag:s25], $0x80  }
0x5e: {  	[sflag:s25] =	ssyncset.done $0x0  }
0x5f: {  	[sflag:s25] =	ssyncadd.s32 $0xFFFFFF80  }
0x60: {  	_ =	swait.ge [sflag:s25], $0x80  }
0x61: {  	[sflag:s25] =	ssyncset.done $0x0  }
0x62: {  	[sflag:s25] =	ssyncadd.s32 $0xFFFFFF80  }
0x63: {  	[tilespmem:s26], [sflag:$0x2] =	stream.indirect.gather [hbm4b:s5+s12], $0x80, s12, s12, $0xb8;
	[tilespmem:$0x1C300] =	vst v63  }
0x64: {  	_ =	swait.ge [sflag:s30], $0x4000  }
0x65: {  	[sflag:s30] =	ssyncset.done $0x0  }
0x66: {  	[sflag:s30] =	ssyncadd.s32 $0xFFFFC000  }
0x67: {  	[spmem:s2] =	stream.indirect.scatter.add.f32 [tilespmem:s24], [sflag:$0x3], $0x80, s9, s12, $0xb8;
	[tilespmem:$0x1C300] =	vst v63  }
0x68: {  	_ =	swait.ge [sflag:s31], $0x4000  }
0x69: {  	[sflag:s31] =	ssyncset.done $0x0  }
0x6a: {  	s18 =	smin.u32 s16, $0x2600;
	[sflag:s31] =	ssyncadd.s32 $0xFFFFC000  }
0x6b: {  	[spmem:s2] =	stream.indirect.scatter.add.f32 [tilespmem:s26], [sflag:$0x4], $0x80, s13, s12, $0xb8;
	[tilespmem:$0x1C300] =	vst v63  }
0x6c: {  	s16 =	sadd.s32 s18, s15;
	_ =	swait.ge [sflag:s10], $0x4000  }
0x6d: {  	s16 =	sshrl.u32 s16, $0x3;
	[sflag:s10] =	ssyncset.done $0x0  }
0x6e: {  	s18 =	sadd.s32 s7, s16;
	[sflag:s10] =	ssyncadd.s32 $0xFFFFC000  }
0x6f: {  	[tilespmem:s3], [sflag:$0x5] =	stream.linear.gather [hbm4b:s18+s3], $0x80, $0x38;
	[tilespmem:$0x1C300] =	vst v63  }
0x70: {  	s21 =	sadd.s32 s8, s16  }
0x71: {  	[tilespmem:s9], [sflag:$0x5] =	stream.linear.gather [hbm4b:s21+s3], $0x80, $0x38;
	[tilespmem:$0x1C300] =	vst v63  }
0x72: {  	_ =	swait.ge [sflag:s28], $0x4000  }
0x73: {  	s16 =	sor.u32 $0x10, s16;
	[sflag:s28] =	ssyncset.done $0x0  }
0x74: {  	s22 =	sadd.s32 s7, s16;
	[sflag:s28] =	ssyncadd.s32 $0xFFFFC000  }
0x75: {  	[tilespmem:s12], [sflag:$0x6] =	stream.linear.gather [hbm4b:s22+s3], $0x80, $0x38;
	[tilespmem:$0x1C300] =	vst v63  }
0x76: {  	s16 =	sadd.s32 s8, s16  }
0x77: {  	[tilespmem:s13], [sflag:$0x6] =	stream.linear.gather [hbm4b:s16+s3], $0x80, $0x38;
	[tilespmem:$0x1C300] =	vst v63  }
0x78: {  	_ =	swait.ge [sflag:s14], $0x80  }
0x79: {  	[sflag:s14] =	ssyncset.done $0x0  }
0x7a: {  	[sflag:s14] =	ssyncadd.s32 $0xFFFFFF80  }
0x7b: {  	_ =	swait.ge [sflag:s14], $0x80  }
0x7c: {  	[sflag:s14] =	ssyncset.done $0x0  }
0x7d: {  	[sflag:s14] =	ssyncadd.s32 $0xFFFFFF80  }
0x7e: {  	[tilespmem:s24], [sflag:$0x1] =	stream.indirect.gather [hbm4b:s5+s12], $0x80, s3, s12, $0xb8;
	[tilespmem:$0x1C300] =	vst v63  }
0x7f: {  	_ =	swait.ge [sflag:s25], $0x80  }
0x80: {  	[sflag:s25] =	ssyncset.done $0x0  }
0x81: {  	[sflag:s25] =	ssyncadd.s32 $0xFFFFFF80  }
0x82: {  	_ =	swait.ge [sflag:s25], $0x80  }
0x83: {  	[sflag:s25] =	ssyncset.done $0x0  }
0x84: {  	s16 =	simm.s32 $0x100;
	[sflag:s25] =	ssyncadd.s32 $0xFFFFFF80  }
.LBB2_5:
0x85: {  	[tilespmem:s26], [sflag:$0x2] =	stream.indirect.gather [hbm4b:s5+s12], $0x80, s12, s12, $0xb8;
	[tilespmem:$0x1C300] =	vst v63  }
0x86: {  	s18 =	smov.u32 s16  }
0x87: {  	p1 =	seq.s32 s16, $0x2700;
	s16 =	sadd.s32 $0x100, s16;
	_ =	swait.ge [sflag:s30], $0x4000  }
0x88: {  	[sflag:s30] =	ssyncset.done $0x0  }
0x89: {  	[sflag:s30] =	ssyncadd.s32 $0xFFFFC000  }
0x8a: {  	[spmem:s2] =	stream.indirect.scatter.add.f32 [tilespmem:s24], [sflag:$0x3], $0x80, s9, s12, $0xb8;
	[tilespmem:$0x1C300] =	vst v63  }
0x8b: {  	_ =	swait.ge [sflag:s31], $0x4000  }
0x8c: {  	[sflag:s31] =	ssyncset.done $0x0  }
0x8d: {  	s18 =	smin.u32 s18, $0x2600;
	[sflag:s31] =	ssyncadd.s32 $0xFFFFC000  }
0x8e: {  	[spmem:s2] =	stream.indirect.scatter.add.f32 [tilespmem:s26], [sflag:$0x4], $0x80, s13, s12, $0xb8;
	[tilespmem:$0x1C300] =	vst v63  }
0x8f: {  	s18 =	sadd.s32 s18, s15;
	_ =	swait.ge [sflag:s10], $0x4000  }
0x90: {  	s18 =	sshrl.u32 s18, $0x3;
	[sflag:s10] =	ssyncset.done $0x0  }
0x91: {  	s21 =	sadd.s32 s7, s18;
	s22 =	sor.u32 $0x10, s18;
	[sflag:s10] =	ssyncadd.s32 $0xFFFFC000  }
0x92: {  	[tilespmem:s3], [sflag:$0x5] =	stream.linear.gather [hbm4b:s21+s3], $0x80, $0x38;
	[tilespmem:$0x1C300] =	vst v63  }
0x93: {  	s18 =	sadd.s32 s8, s18  }
0x94: {  	[tilespmem:s9], [sflag:$0x5] =	stream.linear.gather [hbm4b:s18+s3], $0x80, $0x38;
	[tilespmem:$0x1C300] =	vst v63  }
0x95: {  	_ =	swait.ge [sflag:s28], $0x4000  }
0x96: {  	[sflag:s28] =	ssyncset.done $0x0  }
0x97: {  	s18 =	sadd.s32 s7, s22;
	[sflag:s28] =	ssyncadd.s32 $0xFFFFC000  }
0x98: {  	[tilespmem:s12], [sflag:$0x6] =	stream.linear.gather [hbm4b:s18+s3], $0x80, $0x38;
	[tilespmem:$0x1C300] =	vst v63  }
0x99: {  	s18 =	sadd.s32 s8, s22  }
0x9a: {  	[tilespmem:s13], [sflag:$0x6] =	stream.linear.gather [hbm4b:s18+s3], $0x80, $0x38;
	[tilespmem:$0x1C300] =	vst v63  }
0x9b: {  	_ =	swait.ge [sflag:s14], $0x80  }
0x9c: {  	[sflag:s14] =	ssyncset.done $0x0  }
0x9d: {  	[sflag:s14] =	ssyncadd.s32 $0xFFFFFF80  }
0x9e: {  	_ =	swait.ge [sflag:s14], $0x80  }
0x9f: {  	[sflag:s14] =	ssyncset.done $0x0  }
0xa0: {  	[sflag:s14] =	ssyncadd.s32 $0xFFFFFF80  }
0xa1: {  	[tilespmem:s24], [sflag:$0x1] =	stream.indirect.gather [hbm4b:s5+s12], $0x80, s3, s12, $0xb8;
	[tilespmem:$0x1C300] =	vst v63  }
0xa2: {  	_ =	swait.ge [sflag:s25], $0x80  }
.Ltmp2:
0xa3: {  	[sflag:s25] =	ssyncset.done $0x0;
	(pc) =	sbr.rel @!p1 .LBB2_5-.Ltmp2, $4  }
0xa4: {  	[sflag:s25] =	ssyncadd.s32 $0xFFFFFF80  }
0xa5: {  	_ =	swait.ge [sflag:s25], $0x80  }
0xa6: {  	[sflag:s25] =	ssyncset.done $0x0  }
0xa7: {  	[sflag:s25] =	ssyncadd.s32 $0xFFFFFF80  }
.Ltmp3:
0xa8: {  	(pc) =	sbr.rel .LBB2_10-.Ltmp3, $3  }
0xa9: {  	_ =	sdelay $0x1  }
0xaa: {  	[tilespmem:s26], [sflag:$0x2] =	stream.indirect.gather [hbm4b:s5+s12], $0x80, s12, s12, $0xb8;
	[tilespmem:$0x1C300] =	vst v63  }
0xab: {  	s16 =	rddreg [dreg:$0x1]  }
.LBB2_7:
0xac: {  	[tilespmem:s24], [sflag:$0x1] =	stream.indirect.gather [hbm4b:s6+s12], $0x80, s16, s12, $0xb8;
	[tilespmem:$0x1C300] =	vst v63  }
0xad: {  	_ =	swait.ge [sflag:s25], $0x80  }
0xae: {  	[sflag:s25] =	ssyncset.done $0x0  }
0xaf: {  	[sflag:s25] =	ssyncadd.s32 $0xFFFFFF80  }
0xb0: {  	_ =	swait.ge [sflag:s25], $0x80  }
0xb1: {  	[sflag:s25] =	ssyncset.done $0x0  }
0xb2: {  	[sflag:s25] =	ssyncadd.s32 $0xFFFFFF80  }
0xb3: {  	[tilespmem:s26], [sflag:$0x2] =	stream.indirect.gather [hbm4b:s6+s12], $0x80, s12, s12, $0xb8;
	[tilespmem:$0x1C300] =	vst v63  }
0xb4: {  	_ =	swait.ge [sflag:s30], $0x4000  }
0xb5: {  	[sflag:s30] =	ssyncset.done $0x0  }
0xb6: {  	[sflag:s30] =	ssyncadd.s32 $0xFFFFC000  }
0xb7: {  	[spmem:s2] =	stream.indirect.scatter.add.f32 [tilespmem:s24], [sflag:$0x3], $0x80, s9, s12, $0xb8;
	[tilespmem:$0x1C300] =	vst v63  }
0xb8: {  	_ =	swait.ge [sflag:s31], $0x4000  }
0xb9: {  	[sflag:s31] =	ssyncset.done $0x0  }
0xba: {  	s18 =	smin.u32 s16, $0x2600;
	[sflag:s31] =	ssyncadd.s32 $0xFFFFC000  }
0xbb: {  	[spmem:s2] =	stream.indirect.scatter.add.f32 [tilespmem:s26], [sflag:$0x4], $0x80, s13, s12, $0xb8;
	[tilespmem:$0x1C300] =	vst v63  }
0xbc: {  	s16 =	sadd.s32 s18, s15;
	_ =	swait.ge [sflag:s10], $0x4000  }
0xbd: {  	s16 =	sshrl.u32 s16, $0x3;
	[sflag:s10] =	ssyncset.done $0x0  }
0xbe: {  	s18 =	sadd.s32 s7, s16;
	[sflag:s10] =	ssyncadd.s32 $0xFFFFC000  }
0xbf: {  	[tilespmem:s3], [sflag:$0x5] =	stream.linear.gather [hbm4b:s18+s3], $0x80, $0x38;
	[tilespmem:$0x1C300] =	vst v63  }
0xc0: {  	s21 =	sadd.s32 s8, s16  }
0xc1: {  	[tilespmem:s9], [sflag:$0x5] =	stream.linear.gather [hbm4b:s21+s3], $0x80, $0x38;
	[tilespmem:$0x1C300] =	vst v63  }
0xc2: {  	_ =	swait.ge [sflag:s28], $0x4000  }
0xc3: {  	s16 =	sor.u32 $0x10, s16;
	[sflag:s28] =	ssyncset.done $0x0  }
0xc4: {  	s22 =	sadd.s32 s7, s16;
	[sflag:s28] =	ssyncadd.s32 $0xFFFFC000  }
0xc5: {  	[tilespmem:s12], [sflag:$0x6] =	stream.linear.gather [hbm4b:s22+s3], $0x80, $0x38;
	[tilespmem:$0x1C300] =	vst v63  }
0xc6: {  	s16 =	sadd.s32 s8, s16  }
0xc7: {  	[tilespmem:s13], [sflag:$0x6] =	stream.linear.gather [hbm4b:s16+s3], $0x80, $0x38;
	[tilespmem:$0x1C300] =	vst v63  }
0xc8: {  	_ =	swait.ge [sflag:s14], $0x80  }
0xc9: {  	[sflag:s14] =	ssyncset.done $0x0  }
0xca: {  	[sflag:s14] =	ssyncadd.s32 $0xFFFFFF80  }
0xcb: {  	_ =	swait.ge [sflag:s14], $0x80  }
0xcc: {  	[sflag:s14] =	ssyncset.done $0x0  }
0xcd: {  	[sflag:s14] =	ssyncadd.s32 $0xFFFFFF80  }
0xce: {  	[tilespmem:s24], [sflag:$0x1] =	stream.indirect.gather [hbm4b:s6+s12], $0x80, s3, s12, $0xb8;
	[tilespmem:$0x1C300] =	vst v63  }
0xcf: {  	_ =	swait.ge [sflag:s25], $0x80  }
0xd0: {  	[sflag:s25] =	ssyncset.done $0x0  }
0xd1: {  	[sflag:s25] =	ssyncadd.s32 $0xFFFFFF80  }
0xd2: {  	_ =	swait.ge [sflag:s25], $0x80  }
0xd3: {  	[sflag:s25] =	ssyncset.done $0x0  }
0xd4: {  	s16 =	simm.s32 $0x100;
	[sflag:s25] =	ssyncadd.s32 $0xFFFFFF80  }
.LBB2_8:
0xd5: {  	[tilespmem:s26], [sflag:$0x2] =	stream.indirect.gather [hbm4b:s6+s12], $0x80, s12, s12, $0xb8;
	[tilespmem:$0x1C300] =	vst v63  }
0xd6: {  	s18 =	smov.u32 s16  }
0xd7: {  	p1 =	sne.s32 s16, $0x2700;
	s16 =	sadd.s32 $0x100, s16;
	_ =	swait.ge [sflag:s30], $0x4000  }
0xd8: {  	[sflag:s30] =	ssyncset.done $0x0  }
0xd9: {  	[sflag:s30] =	ssyncadd.s32 $0xFFFFC000  }
0xda: {  	[spmem:s2] =	stream.indirect.scatter.add.f32 [tilespmem:s24], [sflag:$0x3], $0x80, s9, s12, $0xb8;
	[tilespmem:$0x1C300] =	vst v63  }
0xdb: {  	_ =	swait.ge [sflag:s31], $0x4000  }
0xdc: {  	[sflag:s31] =	ssyncset.done $0x0  }
0xdd: {  	s18 =	smin.u32 s18, $0x2600;
	[sflag:s31] =	ssyncadd.s32 $0xFFFFC000  }
0xde: {  	[spmem:s2] =	stream.indirect.scatter.add.f32 [tilespmem:s26], [sflag:$0x4], $0x80, s13, s12, $0xb8;
	[tilespmem:$0x1C300] =	vst v63  }
0xdf: {  	s18 =	sadd.s32 s18, s15;
	_ =	swait.ge [sflag:s10], $0x4000  }
0xe0: {  	s18 =	sshrl.u32 s18, $0x3;
	[sflag:s10] =	ssyncset.done $0x0  }
0xe1: {  	s21 =	sadd.s32 s7, s18;
	s22 =	sor.u32 $0x10, s18;
	[sflag:s10] =	ssyncadd.s32 $0xFFFFC000  }
0xe2: {  	[tilespmem:s3], [sflag:$0x5] =	stream.linear.gather [hbm4b:s21+s3], $0x80, $0x38;
	[tilespmem:$0x1C300] =	vst v63  }
0xe3: {  	s18 =	sadd.s32 s8, s18  }
0xe4: {  	[tilespmem:s9], [sflag:$0x5] =	stream.linear.gather [hbm4b:s18+s3], $0x80, $0x38;
	[tilespmem:$0x1C300] =	vst v63  }
0xe5: {  	_ =	swait.ge [sflag:s28], $0x4000  }
0xe6: {  	[sflag:s28] =	ssyncset.done $0x0  }
0xe7: {  	s18 =	sadd.s32 s7, s22;
	[sflag:s28] =	ssyncadd.s32 $0xFFFFC000  }
0xe8: {  	[tilespmem:s12], [sflag:$0x6] =	stream.linear.gather [hbm4b:s18+s3], $0x80, $0x38;
	[tilespmem:$0x1C300] =	vst v63  }
0xe9: {  	s18 =	sadd.s32 s8, s22  }
0xea: {  	[tilespmem:s13], [sflag:$0x6] =	stream.linear.gather [hbm4b:s18+s3], $0x80, $0x38;
	[tilespmem:$0x1C300] =	vst v63  }
0xeb: {  	_ =	swait.ge [sflag:s14], $0x80  }
0xec: {  	[sflag:s14] =	ssyncset.done $0x0  }
0xed: {  	[sflag:s14] =	ssyncadd.s32 $0xFFFFFF80  }
0xee: {  	_ =	swait.ge [sflag:s14], $0x80  }
0xef: {  	[sflag:s14] =	ssyncset.done $0x0  }
0xf0: {  	[sflag:s14] =	ssyncadd.s32 $0xFFFFFF80  }
0xf1: {  	[tilespmem:s24], [sflag:$0x1] =	stream.indirect.gather [hbm4b:s6+s12], $0x80, s3, s12, $0xb8;
	[tilespmem:$0x1C300] =	vst v63  }
0xf2: {  	_ =	swait.ge [sflag:s25], $0x80  }
.Ltmp4:
0xf3: {  	[sflag:s25] =	ssyncset.done $0x0;
	(pc) =	sbr.rel @p1 .LBB2_8-.Ltmp4, $4  }
0xf4: {  	[sflag:s25] =	ssyncadd.s32 $0xFFFFFF80  }
0xf5: {  	_ =	swait.ge [sflag:s25], $0x80  }
0xf6: {  	[sflag:s25] =	ssyncset.done $0x0  }
0xf7: {  	[sflag:s25] =	ssyncadd.s32 $0xFFFFFF80  }
0xf8: {  	[tilespmem:s26], [sflag:$0x2] =	stream.indirect.gather [hbm4b:s6+s12], $0x80, s12, s12, $0xb8;
	[tilespmem:$0x1C300] =	vst v63  }
0xf9: {  	s16 =	rddreg [dreg:$0x4]  }
.LBB2_10:
0xfa: {  	_ =	swait.ge [sflag:s30], $0x4000  }
0xfb: {  	[sflag:s30] =	ssyncset.done $0x0  }
0xfc: {  	[sflag:s30] =	ssyncadd.s32 $0xFFFFC000  }
0xfd: {  	_ =	swait.ge [sflag:s31], $0x4000  }
0xfe: {  	[sflag:s31] =	ssyncset.done $0x0  }
0xff: {  	[sflag:s31] =	ssyncadd.s32 $0xFFFFC000  }
0x100: {  	[bflag:$0x0] =	sbarrier.arrive $0xFFFF  }
0x101: {  	[tilespmem:s24], [sflag:$0x7] =	stream.linear.gather [spmem:s11], $0x4000, $0x38;
	[tilespmem:$0x1C300] =	vst v63  }
0x102: {  	_ =	swait.ge [sflag:s1], $0x4000  }
0x103: {  	[sflag:s1] =	ssyncset.done $0x0;
	s18 =	rddreg [dreg:$0x5]  }
0x104: {  	s21 =	simm.s32 $0x0;
	s18 =	sadd.s32 s16, s18;
	[sflag:s1] =	ssyncadd.s32 $0xFFFFC000  }
0x105: {  	[hbm4b:s18+s21] =	stream.linear.scatter [tilespmem:s24], [sflag:$0x7], $0x4000, $0x38;
	[tilespmem:$0x1C300] =	vst v63  }
0x106: {  	_ =	swait.ge [sflag:s1], $0x4000  }
0x107: {  	[sflag:s1] =	ssyncset.done $0x0  }
0x108: {  	s22 =	rddreg [dreg:$0x11];
	[sflag:s1] =	ssyncadd.s32 $0xFFFFC000  }
0x109: {  	[tilespmem:s24], [sflag:$0x7] =	stream.linear.gather [spmem:s22], $0x4000, $0x38;
	[tilespmem:$0x1C300] =	vst v63  }
0x10a: {  	_ =	swait.ge [sflag:s1], $0x4000  }
0x10b: {  	[sflag:s1] =	ssyncset.done $0x0;
	s18 =	rddreg [dreg:$0xf]  }
0x10c: {  	s18 =	sadd.s32 s16, s18;
	[sflag:s1] =	ssyncadd.s32 $0xFFFFC000  }
0x10d: {  	[hbm4b:s18+s21] =	stream.linear.scatter [tilespmem:s24], [sflag:$0x7], $0x4000, $0x38;
	[tilespmem:$0x1C300] =	vst v63  }
0x10e: {  	_ =	swait.ge [sflag:s1], $0x4000  }
0x10f: {  	[sflag:s1] =	ssyncset.done $0x0  }
0x110: {  	s18 =	rddreg [dreg:$0x12];
	[sflag:s1] =	ssyncadd.s32 $0xFFFFC000  }
0x111: {  	[tilespmem:s24], [sflag:$0x7] =	stream.linear.gather [spmem:s18], $0x4000, $0x38;
	[tilespmem:$0x1C300] =	vst v63  }
0x112: {  	_ =	swait.ge [sflag:s1], $0x4000  }
0x113: {  	[sflag:s1] =	ssyncset.done $0x0;
	s18 =	rddreg [dreg:$0x10]  }
0x114: {  	s18 =	sadd.s32 s16, s18;
	[sflag:s1] =	ssyncadd.s32 $0xFFFFC000  }
0x115: {  	[hbm4b:s18+s21] =	stream.linear.scatter [tilespmem:s24], [sflag:$0x7], $0x4000, $0x38;
	[tilespmem:$0x1C300] =	vst v63  }
0x116: {  	_ =	swait.ge [sflag:s1], $0x4000  }
0x117: {  	[sflag:s1] =	ssyncset.done $0x0  }
0x118: {  	s18 =	rddreg [dreg:$0x15];
	[sflag:s1] =	ssyncadd.s32 $0xFFFFC000  }
0x119: {  	[tilespmem:s24], [sflag:$0x7] =	stream.linear.gather [spmem:s18], $0x4000, $0x38;
	[tilespmem:$0x1C300] =	vst v63  }
0x11a: {  	_ =	swait.ge [sflag:s1], $0x4000  }
0x11b: {  	[sflag:s1] =	ssyncset.done $0x0;
	s18 =	rddreg [dreg:$0x13]  }
0x11c: {  	s18 =	sadd.s32 s16, s18;
	[sflag:s1] =	ssyncadd.s32 $0xFFFFC000  }
0x11d: {  	[hbm4b:s18+s21] =	stream.linear.scatter [tilespmem:s24], [sflag:$0x7], $0x4000, $0x38;
	[tilespmem:$0x1C300] =	vst v63  }
0x11e: {  	_ =	swait.ge [sflag:s1], $0x4000  }
0x11f: {  	[sflag:s1] =	ssyncset.done $0x0  }
0x120: {  	s18 =	rddreg [dreg:$0x16];
	[sflag:s1] =	ssyncadd.s32 $0xFFFFC000  }
0x121: {  	[tilespmem:s24], [sflag:$0x7] =	stream.linear.gather [spmem:s18], $0x4000, $0x38;
	[tilespmem:$0x1C300] =	vst v63  }
0x122: {  	_ =	swait.ge [sflag:s1], $0x4000  }
0x123: {  	[sflag:s1] =	ssyncset.done $0x0;
	s18 =	rddreg [dreg:$0x14]  }
0x124: {  	s18 =	sadd.s32 s16, s18;
	[sflag:s1] =	ssyncadd.s32 $0xFFFFC000  }
0x125: {  	[hbm4b:s18+s21] =	stream.linear.scatter [tilespmem:s24], [sflag:$0x7], $0x4000, $0x38;
	[tilespmem:$0x1C300] =	vst v63  }
0x126: {  	_ =	swait.ge [sflag:s1], $0x4000  }
0x127: {  	[sflag:s1] =	ssyncset.done $0x0  }
0x128: {  	[sflag:s1] =	ssyncadd.s32 $0xFFFFC000  }
0x129: {  	s16 =	simm.s32 $0x0;
	s18 =	simm.s32 $0x200;
	[bflag:$0x0] =	sbarrier.arrive $0xFFFF  }
.LBB2_11:
0x12a: {  	p1 =	seq.s32 s18, $0xFE00;
	[tilespmem:s16+$0x4370] =	vst v0  }
0x12b: {  	[tilespmem:s16+$0x4300] =	vst v0  }
0x12c: {  	[tilespmem:s16+$0x4310] =	vst v0  }
.Ltmp5:
0x12d: {  	[tilespmem:s16+$0x4320] =	vst v0;
	(pc) =	sbr.rel @!p1 .LBB2_11-.Ltmp5, $4  }
0x12e: {  	[tilespmem:s16+$0x4330] =	vst v0  }
0x12f: {  	[tilespmem:s16+$0x4340] =	vst v0  }
0x130: {  	[tilespmem:s16+$0x4350] =	vst v0  }
0x131: {  	[tilespmem:s16+$0x4360] =	vst v0;
	s16 =	sshra.s32 s18, $0x2;
	s18 =	sadd.s32 $0x200, s18  }
0x132: {  	[tilespmem:s16+$0x4370] =	vst v0  }
0x133: {  	[tilespmem:s16+$0x4300] =	vst v0  }
0x134: {  	[tilespmem:s16+$0x4310] =	vst v0  }
0x135: {  	[tilespmem:s16+$0x4320] =	vst v0  }
0x136: {  	[tilespmem:s16+$0x4330] =	vst v0  }
0x137: {  	[tilespmem:s16+$0x4340] =	vst v0  }
0x138: {  	[tilespmem:s16+$0x4350] =	vst v0  }
0x139: {  	[tilespmem:s16+$0x4360] =	vst v0  }
0x13a: {  	[spmem:s11] =	stream.linear.scatter [tilespmem:s26], [sflag:$0x7], $0x4000, $0x38;
	[tilespmem:$0x1C300] =	vst v63  }
0x13b: {  	_ =	swait.ge [sflag:s1], $0x4000  }
0x13c: {  	[sflag:s1] =	ssyncset.done $0x0  }
0x13d: {  	s18 =	rddreg [dreg:$0x1c];
	[sflag:s1] =	ssyncadd.s32 $0xFFFFC000  }
0x13e: {  	[spmem:s18] =	stream.linear.scatter [tilespmem:s26], [sflag:$0x7], $0x4000, $0x38;
	[tilespmem:$0x1C300] =	vst v63  }
0x13f: {  	_ =	swait.ge [sflag:s1], $0x4000  }
0x140: {  	[sflag:s1] =	ssyncset.done $0x0  }
0x141: {  	s21 =	rddreg [dreg:$0x1d];
	[sflag:s1] =	ssyncadd.s32 $0xFFFFC000  }
0x142: {  	[spmem:s21] =	stream.linear.scatter [tilespmem:s26], [sflag:$0x7], $0x4000, $0x38;
	[tilespmem:$0x1C300] =	vst v63  }
0x143: {  	_ =	swait.ge [sflag:s1], $0x4000  }
0x144: {  	[sflag:s1] =	ssyncset.done $0x0  }
0x145: {  	s18 =	rddreg [dreg:$0x1e];
	[sflag:s1] =	ssyncadd.s32 $0xFFFFC000  }
0x146: {  	[spmem:s18] =	stream.linear.scatter [tilespmem:s26], [sflag:$0x7], $0x4000, $0x38;
	[tilespmem:$0x1C300] =	vst v63  }
0x147: {  	_ =	swait.ge [sflag:s1], $0x4000  }
0x148: {  	[sflag:s1] =	ssyncset.done $0x0  }
0x149: {  	s21 =	rddreg [dreg:$0x1f];
	[sflag:s1] =	ssyncadd.s32 $0xFFFFC000  }
0x14a: {  	[spmem:s21] =	stream.linear.scatter [tilespmem:s26], [sflag:$0x7], $0x4000, $0x38;
	[tilespmem:$0x1C300] =	vst v63  }
0x14b: {  	_ =	swait.ge [sflag:s1], $0x4000  }
0x14c: {  	[sflag:s1] =	ssyncset.done $0x0  }
0x14d: {  	s16 =	simm.s32 $0x0;
	s18 =	simm.s32 $0x200;
	[sflag:s1] =	ssyncadd.s32 $0xFFFFC000  }
.LBB2_13:
0x14e: {  	p1 =	sne.s32 s18, $0xFE00;
	[tilespmem:s16+$0x370] =	vst v1  }
0x14f: {  	[tilespmem:s16+$0x300] =	vst v1  }
0x150: {  	[tilespmem:s16+$0x310] =	vst v1  }
.Ltmp6:
0x151: {  	[tilespmem:s16+$0x320] =	vst v1;
	(pc) =	sbr.rel @p1 .LBB2_13-.Ltmp6, $4  }
0x152: {  	[tilespmem:s16+$0x330] =	vst v1  }
0x153: {  	[tilespmem:s16+$0x340] =	vst v1  }
0x154: {  	[tilespmem:s16+$0x350] =	vst v1  }
0x155: {  	[tilespmem:s16+$0x360] =	vst v1;
	s16 =	sshra.s32 s18, $0x2;
	s18 =	sadd.s32 $0x200, s18  }
0x156: {  	[tilespmem:s16+$0x370] =	vst v1  }
0x157: {  	[tilespmem:s16+$0x300] =	vst v1  }
0x158: {  	[tilespmem:s16+$0x310] =	vst v1  }
0x159: {  	[tilespmem:s16+$0x320] =	vst v1  }
0x15a: {  	[tilespmem:s16+$0x330] =	vst v1  }
0x15b: {  	[tilespmem:s16+$0x340] =	vst v1  }
0x15c: {  	[tilespmem:s16+$0x350] =	vst v1  }
0x15d: {  	[tilespmem:s16+$0x360] =	vst v1  }
0x15e: {  	[bflag:$0x0] =	sbarrier.arrive $0xFFFF  }
0x15f: {  	s16 =	simm.s32 $0x0;
	s18 =	rddreg [dreg:$0xa]  }
0x160: {  	[tilespmem:s9], [sflag:$0x7] =	stream.linear.gather [hbm4b:s18+s16], $0x80, $0x38;
	[tilespmem:$0x1C300] =	vst v63  }
0x161: {  	_ =	swait.ge [sflag:s1], $0x80  }
0x162: {  	[sflag:s1] =	ssyncset.done $0x0  }
0x163: {  	s21 =	rddreg [dreg:$0xb];
	[sflag:s1] =	ssyncadd.s32 $0xFFFFFF80  }
0x164: {  	[tilespmem:s13], [sflag:$0x7] =	stream.linear.gather [hbm4b:s21+s16], $0x80, $0x38;
	[tilespmem:$0x1C300] =	vst v63  }
0x165: {  	_ =	swait.ge [sflag:s1], $0x80  }
0x166: {  	[sflag:s1] =	ssyncset.done $0x0  }
0x167: {  	s21 =	rddreg [dreg:$0xc];
	[sflag:s1] =	ssyncadd.s32 $0xFFFFFF80  }
0x168: {  	[tilespmem:s29], [sflag:$0x7] =	stream.linear.gather [hbm4b:s21+s16], $0x80, $0x38;
	[tilespmem:$0x1C300] =	vst v63  }
0x169: {  	_ =	swait.ge [sflag:s1], $0x80  }
0x16a: {  	[sflag:s1] =	ssyncset.done $0x0  }
0x16b: {  	s21 =	rddreg [dreg:$0xd];
	[sflag:s1] =	ssyncadd.s32 $0xFFFFFF80  }
0x16c: {  	[tilespmem:s0], [sflag:$0x7] =	stream.linear.gather [hbm4b:s21+s16], $0x80, $0x38;
	[tilespmem:$0x1C300] =	vst v63  }
0x16d: {  	_ =	swait.ge [sflag:s1], $0x80  }
0x16e: {  	[sflag:s1] =	ssyncset.done $0x0  }
0x16f: {  	[sflag:s1] =	ssyncadd.s32 $0xFFFFFF80  }
0x170: {  	[spmem:s2] =	stream.indirect.scatter.add.f32 [tilespmem:s24], [sflag:$0x3], $0x80, s9, s12, $0xb8;
	[tilespmem:$0x1C300] =	vst v63  }
0x171: {  	_ = 	snop  }
0x172: {  	[spmem:s2] =	stream.indirect.scatter.add.f32 [tilespmem:s24], [sflag:$0x4], $0x80, s13, s12, $0xb8;
	[tilespmem:$0x1C300] =	vst v63  }
0x173: {  	_ = 	snop  }
0x174: {  	[spmem:s2] =	stream.indirect.scatter.add.f32 [tilespmem:s24], [sflag:$0x3], $0x80, s29, s12, $0xb8;
	[tilespmem:$0x1C300] =	vst v63  }
0x175: {  	s16 =	smin.u32 s16, $0x1000  }
0x176: {  	[spmem:s2] =	stream.indirect.scatter.add.f32 [tilespmem:s24], [sflag:$0x4], $0x80, s0, s12, $0xb8;
	[tilespmem:$0x1C300] =	vst v63  }
0x177: {  	s16 =	sadd.s32 s16, s23;
	_ =	swait.ge [sflag:s10], $0x4000  }
0x178: {  	s16 =	sshrl.u32 s16, $0x3;
	[sflag:s10] =	ssyncset.done $0x0  }
0x179: {  	s21 =	sadd.s32 s8, s16;
	[sflag:s10] =	ssyncadd.s32 $0xFFFFC000  }
0x17a: {  	[tilespmem:s9], [sflag:$0x7] =	stream.linear.gather [hbm4b:s21+s3], $0x80, $0x38;
	[tilespmem:$0x1C300] =	vst v63  }
0x17b: {  	_ =	swait.ge [sflag:s1], $0x80  }
0x17c: {  	[sflag:s1] =	ssyncset.done $0x0  }
0x17d: {  	[sflag:s1] =	ssyncadd.s32 $0xFFFFFF80  }
0x17e: {  	_ =	swait.ge [sflag:s28], $0x4000  }
0x17f: {  	[sflag:s28] =	ssyncset.done $0x0  }
0x180: {  	s21 =	sadd.s32 s16, s17;
	[sflag:s28] =	ssyncadd.s32 $0xFFFFC000  }
0x181: {  	[tilespmem:s13], [sflag:$0x7] =	stream.linear.gather [hbm4b:s21+s3], $0x80, $0x38;
	[tilespmem:$0x1C300] =	vst v63  }
0x182: {  	_ =	swait.ge [sflag:s1], $0x80  }
0x183: {  	[sflag:s1] =	ssyncset.done $0x0  }
0x184: {  	[sflag:s1] =	ssyncadd.s32 $0xFFFFFF80  }
0x185: {  	_ =	swait.ge [sflag:s10], $0x4000  }
0x186: {  	[sflag:s10] =	ssyncset.done $0x0  }
0x187: {  	s21 =	sadd.s32 s16, s19;
	[sflag:s10] =	ssyncadd.s32 $0xFFFFC000  }
0x188: {  	[tilespmem:s29], [sflag:$0x7] =	stream.linear.gather [hbm4b:s21+s3], $0x80, $0x38;
	[tilespmem:$0x1C300] =	vst v63  }
0x189: {  	_ =	swait.ge [sflag:s1], $0x80  }
0x18a: {  	[sflag:s1] =	ssyncset.done $0x0  }
0x18b: {  	[sflag:s1] =	ssyncadd.s32 $0xFFFFFF80  }
0x18c: {  	_ =	swait.ge [sflag:s28], $0x4000  }
0x18d: {  	[sflag:s28] =	ssyncset.done $0x0  }
0x18e: {  	s16 =	sadd.s32 s16, s20;
	[sflag:s28] =	ssyncadd.s32 $0xFFFFC000  }
0x18f: {  	[tilespmem:s0], [sflag:$0x7] =	stream.linear.gather [hbm4b:s16+s3], $0x80, $0x38;
	[tilespmem:$0x1C300] =	vst v63  }
0x190: {  	_ =	swait.ge [sflag:s1], $0x80  }
0x191: {  	s16 =	simm.s32 $0x200;
	[sflag:s1] =	ssyncset.done $0x0  }
.LBB2_15:
0x192: {  	p1 =	sne.s32 s16, $0x1200  }
0x193: {  	[sflag:s1] =	ssyncadd.s32 $0xFFFFFF80;
	s18 =	smov.u32 s16;
	s16 =	sadd.s32 $0x200, s16  }
0x194: {  	[spmem:s2] =	stream.indirect.scatter.add.f32 [tilespmem:s24], [sflag:$0x3], $0x80, s9, s12, $0xb8;
	[tilespmem:$0x1C300] =	vst v63  }
0x195: {  	_ = 	snop  }
0x196: {  	[spmem:s2] =	stream.indirect.scatter.add.f32 [tilespmem:s24], [sflag:$0x4], $0x80, s13, s12, $0xb8;
	[tilespmem:$0x1C300] =	vst v63  }
0x197: {  	_ = 	snop  }
0x198: {  	[spmem:s2] =	stream.indirect.scatter.add.f32 [tilespmem:s24], [sflag:$0x3], $0x80, s29, s12, $0xb8;
	[tilespmem:$0x1C300] =	vst v63  }
0x199: {  	s18 =	smin.u32 s18, $0x1000  }
0x19a: {  	[spmem:s2] =	stream.indirect.scatter.add.f32 [tilespmem:s24], [sflag:$0x4], $0x80, s0, s12, $0xb8;
	[tilespmem:$0x1C300] =	vst v63  }
0x19b: {  	s18 =	sadd.s32 s18, s23;
	_ =	swait.ge [sflag:s10], $0x4000  }
0x19c: {  	s18 =	sshrl.u32 s18, $0x3;
	[sflag:s10] =	ssyncset.done $0x0  }
0x19d: {  	s21 =	sadd.s32 s8, s18;
	[sflag:s10] =	ssyncadd.s32 $0xFFFFC000  }
0x19e: {  	[tilespmem:s9], [sflag:$0x7] =	stream.linear.gather [hbm4b:s21+s3], $0x80, $0x38;
	[tilespmem:$0x1C300] =	vst v63  }
0x19f: {  	_ =	swait.ge [sflag:s1], $0x80  }
0x1a0: {  	[sflag:s1] =	ssyncset.done $0x0  }
0x1a1: {  	[sflag:s1] =	ssyncadd.s32 $0xFFFFFF80  }
0x1a2: {  	_ =	swait.ge [sflag:s28], $0x4000  }
0x1a3: {  	[sflag:s28] =	ssyncset.done $0x0  }
0x1a4: {  	s21 =	sadd.s32 s18, s17;
	[sflag:s28] =	ssyncadd.s32 $0xFFFFC000  }
0x1a5: {  	[tilespmem:s13], [sflag:$0x7] =	stream.linear.gather [hbm4b:s21+s3], $0x80, $0x38;
	[tilespmem:$0x1C300] =	vst v63  }
0x1a6: {  	_ =	swait.ge [sflag:s1], $0x80  }
0x1a7: {  	[sflag:s1] =	ssyncset.done $0x0  }
0x1a8: {  	[sflag:s1] =	ssyncadd.s32 $0xFFFFFF80  }
0x1a9: {  	_ =	swait.ge [sflag:s10], $0x4000  }
0x1aa: {  	[sflag:s10] =	ssyncset.done $0x0  }
0x1ab: {  	s21 =	sadd.s32 s18, s19;
	[sflag:s10] =	ssyncadd.s32 $0xFFFFC000  }
0x1ac: {  	[tilespmem:s29], [sflag:$0x7] =	stream.linear.gather [hbm4b:s21+s3], $0x80, $0x38;
	[tilespmem:$0x1C300] =	vst v63  }
0x1ad: {  	_ =	swait.ge [sflag:s1], $0x80  }
0x1ae: {  	[sflag:s1] =	ssyncset.done $0x0  }
0x1af: {  	[sflag:s1] =	ssyncadd.s32 $0xFFFFFF80  }
0x1b0: {  	_ =	swait.ge [sflag:s28], $0x4000  }
.Ltmp7:
0x1b1: {  	[sflag:s28] =	ssyncset.done $0x0;
	(pc) =	sbr.rel @p1 .LBB2_15-.Ltmp7, $4  }
0x1b2: {  	s18 =	sadd.s32 s18, s20;
	[sflag:s28] =	ssyncadd.s32 $0xFFFFC000  }
0x1b3: {  	[tilespmem:s0], [sflag:$0x7] =	stream.linear.gather [hbm4b:s18+s3], $0x80, $0x38;
	[tilespmem:$0x1C300] =	vst v63  }
0x1b4: {  	_ =	swait.ge [sflag:s1], $0x80  }
0x1b5: {  	[sflag:s1] =	ssyncset.done $0x0  }
0x1b6: {  	[sflag:s1] =	ssyncadd.s32 $0xFFFFFF80  }
0x1b7: {  	[bflag:$0x0] =	sbarrier.arrive $0xFFFF  }
0x1b8: {  	[tilespmem:s26], [sflag:$0x7] =	stream.linear.gather [spmem:s11], $0x4000, $0x38;
	[tilespmem:$0x1C300] =	vst v63  }
0x1b9: {  	_ =	swait.ge [sflag:s1], $0x4000  }
0x1ba: {  	[sflag:s1] =	ssyncset.done $0x0  }
0x1bb: {  	s16 =	rddreg [dreg:$0x17];
	[sflag:s1] =	ssyncadd.s32 $0xFFFFC000  }
0x1bc: {  	[hbm4b:s16+s3] =	stream.linear.scatter [tilespmem:s26], [sflag:$0x7], $0x4000, $0x38;
	[tilespmem:$0x1C300] =	vst v63  }
0x1bd: {  	_ =	swait.ge [sflag:s1], $0x4000  }
0x1be: {  	[sflag:s1] =	ssyncset.done $0x0  }
0x1bf: {  	[sflag:s1] =	ssyncadd.s32 $0xFFFFC000  }
0x1c0: {  	[tilespmem:s26], [sflag:$0x7] =	stream.linear.gather [spmem:s22], $0x4000, $0x38;
	[tilespmem:$0x1C300] =	vst v63  }
0x1c1: {  	_ =	swait.ge [sflag:s1], $0x4000  }
0x1c2: {  	[sflag:s1] =	ssyncset.done $0x0  }
0x1c3: {  	s21 =	rddreg [dreg:$0x18];
	[sflag:s1] =	ssyncadd.s32 $0xFFFFC000  }
0x1c4: {  	[hbm4b:s21+s3] =	stream.linear.scatter [tilespmem:s26], [sflag:$0x7], $0x4000, $0x38;
	[tilespmem:$0x1C300] =	vst v63  }
0x1c5: {  	_ =	swait.ge [sflag:s1], $0x4000  }
0x1c6: {  	[sflag:s1] =	ssyncset.done $0x0  }
0x1c7: {  	s22 =	rddreg [dreg:$0x12];
	[sflag:s1] =	ssyncadd.s32 $0xFFFFC000  }
0x1c8: {  	[tilespmem:s26], [sflag:$0x7] =	stream.linear.gather [spmem:s22], $0x4000, $0x38;
	[tilespmem:$0x1C300] =	vst v63  }
0x1c9: {  	_ =	swait.ge [sflag:s1], $0x4000  }
0x1ca: {  	[sflag:s1] =	ssyncset.done $0x0  }
0x1cb: {  	s18 =	rddreg [dreg:$0x19];
	[sflag:s1] =	ssyncadd.s32 $0xFFFFC000  }
0x1cc: {  	[hbm4b:s18+s3] =	stream.linear.scatter [tilespmem:s26], [sflag:$0x7], $0x4000, $0x38;
	[tilespmem:$0x1C300] =	vst v63  }
0x1cd: {  	_ =	swait.ge [sflag:s1], $0x4000  }
0x1ce: {  	[sflag:s1] =	ssyncset.done $0x0  }
0x1cf: {  	s21 =	rddreg [dreg:$0x15];
	[sflag:s1] =	ssyncadd.s32 $0xFFFFC000  }
0x1d0: {  	[tilespmem:s26], [sflag:$0x7] =	stream.linear.gather [spmem:s21], $0x4000, $0x38;
	[tilespmem:$0x1C300] =	vst v63  }
0x1d1: {  	_ =	swait.ge [sflag:s1], $0x4000  }
0x1d2: {  	[sflag:s1] =	ssyncset.done $0x0  }
0x1d3: {  	s22 =	rddreg [dreg:$0x1a];
	[sflag:s1] =	ssyncadd.s32 $0xFFFFC000  }
0x1d4: {  	[hbm4b:s22+s3] =	stream.linear.scatter [tilespmem:s26], [sflag:$0x7], $0x4000, $0x38;
	[tilespmem:$0x1C300] =	vst v63  }
0x1d5: {  	_ =	swait.ge [sflag:s1], $0x4000  }
0x1d6: {  	[sflag:s1] =	ssyncset.done $0x0  }
0x1d7: {  	s18 =	rddreg [dreg:$0x16];
	[sflag:s1] =	ssyncadd.s32 $0xFFFFC000  }
0x1d8: {  	[tilespmem:s26], [sflag:$0x7] =	stream.linear.gather [spmem:s18], $0x4000, $0x38;
	[tilespmem:$0x1C300] =	vst v63  }
0x1d9: {  	_ =	swait.ge [sflag:s1], $0x4000  }
0x1da: {  	[sflag:s1] =	ssyncset.done $0x0  }
0x1db: {  	s21 =	rddreg [dreg:$0x1b];
	[sflag:s1] =	ssyncadd.s32 $0xFFFFC000  }
0x1dc: {  	[hbm4b:s21+s3] =	stream.linear.scatter [tilespmem:s26], [sflag:$0x7], $0x4000, $0x38;
	[tilespmem:$0x1C300] =	vst v63  }
0x1dd: {  	_ =	swait.ge [sflag:s1], $0x4000  }
0x1de: {  	s4 =	sadd.s32 $0x1, s4;
	s22 =	rddreg [dreg:$0xe]  }
0x1df: {  	p1 =	sne.s32 s4, s22  }
.Ltmp8:
0x1e0: {  	_ = 	snop;
	(pc) =	sbr.rel @p1 .LBB2_1-.Ltmp8, $3  }
0x1e1: {  	_ =	sdelay $0x1  }
0x1e2: {  	[sflag:s1] =	ssyncset.done $0x0  }
0x1e3: {  	[sflag:s1] =	ssyncadd.s32 $0xFFFFC000  }
0x1e4: {  	_ =	sfence.sel $0x180000  }
0x1e5: {  	[bflag:$0x0] =	sbarrier.arrive $0xFFFF  }
0x1e6: {  	_ =	strace $0x90000047  }
0x1e7: {  	s0 =	stileid.u32;
	[bflag:$0x2] =	sbarrier.arrive $0xFFFF  }
0x1e8: {  	p0 =	sne.s32 s0, $0x0;
	s0 =	rddreg [dreg:$0x3]  }
0x1e9: {  	s0 =	sadd.s32 @!p0 $0x100000, s0  }
0x1ea: {  	[sflag:s0] =	ssyncadd.tile.s32 @!p0 $0x1;
	_ =	shalt  }
.Lfunc_end2:
_tile_overlayer_lowered:
.L_overlay_start_2:
0x1eb: {  	(tag) =	ssettag $0x2  }
0x1ec: {  	s0 =	rddreg [dreg:$0x0];
	s2 =	stileid.u32  }
0x1ed: {  	s1 =	rddreg [dreg:$0x1];
	p0 =	sne.s32 s2, $0x0  }
0x1ee: {  	s3 =	rddreg [dreg:$0x2];
	[bflag:$0x3] =	sbarrier.arrive $0xFFFF;
	s2 =	simm.s32 @!p0 $0x1C07  }
0x1ef: {  	[timem:s3], [sflag:s2] =	dma.local @!p0 [hbm:s0], s1  }
0x1f0: {  	s0 =	simm.s32 @!p0 $0x7  }
0x1f1: {  	_ =	swait.ge @!p0 [sflag:s0], s1  }
0x1f2: {  	s1 =	ssub.s32 @!p0 $0x0, s1;
	[sflag:s0] =	ssyncset.done @!p0 $0x0  }
0x1f3: {  	[sflag:s0] =	ssyncadd.s32 @!p0 s1  }
0x1f4: {  	[bflag:$0x3] =	sbarrier.arrive $0xFFFF  }
0x1f5: {  	_ =	shalt  }

</sc_bundles>
